<compile_context>
chip_gen: v7x
topology: tpu7x:2x2x1
jax: 0.10.2.dev20260603
libtpu: 0.0.44.dev20260713+nightly
codegen_flags: <defaults>
</compile_context>

<pallas_src>
import functools

import jax
import jax.numpy as jnp
from jax import lax
from jax.experimental import pallas as pl
from jax.experimental.pallas import tpu as pltpu
from jax.experimental.pallas import tpu_sc as plsc

_BATCH = 128
_DATA_DIM = 4096
_LANES = 16


def _make_sc_masked_identity(num_cores, num_subcores):
    num_workers = num_cores * num_subcores
    rows_per_worker = _BATCH // num_workers
    mesh = plsc.VectorSubcoreMesh(core_axis_name="c", subcore_axis_name="s")

    @functools.partial(
        pl.kernel,
        out_type=jax.ShapeDtypeStruct((_BATCH, _DATA_DIM), jnp.float32),
        mesh=mesh,
        scratch_types=[
            pltpu.VMEM((rows_per_worker, _DATA_DIM), jnp.float32),
            pltpu.SemaphoreType.DMA,
            pltpu.SemaphoreType.DMA,
        ],
    )
    def sc_kernel(x_hbm, out_hbm, buf, sem_in, sem_out):
        wid = lax.axis_index("s") * num_cores + lax.axis_index("c")
        base = wid * rows_per_worker

        loads = [
            pltpu.async_copy(
                x_hbm.at[pl.ds(base + r, 1)], buf.at[pl.ds(r, 1)], sem_in
            )
            for r in range(rows_per_worker)
        ]
        stores = []
        for r in range(rows_per_worker):
            loads[r].wait()

            @plsc.parallel_loop(0, _DATA_DIM, step=_LANES, unroll=8)
            def _select(i, r=r):
                v = buf[r, pl.ds(i, _LANES)]
                buf[r, pl.ds(i, _LANES)] = jnp.where(v != 0.0, v, 0.0)

            stores.append(
                pltpu.async_copy(
                    buf.at[pl.ds(r, 1)], out_hbm.at[pl.ds(base + r, 1)], sem_out
                )
            )
        for s in stores:
            s.wait()

    return sc_kernel


def kernel(t, x, embed_table):
    info = plsc.get_sparse_core_info()
    sc = _make_sc_masked_identity(info.num_cores, info.num_subcores)
    return sc(x)

# --- scband reference (transcript-rebuilt; emitter-appended) ---
"""Pipeline reference for scband-c-node-condensed-56547539419172 (READ-ONLY COPY).

The authoritative reference and input builder live on the scoring server;
editing this copy changes nothing except your own understanding.
"""

import jax, jax.numpy as jnp
import numpy as np

DATA_DIM = 4096
EMBED_DIM = 64
BATCH = 128


def setup_inputs(seed: int = 0) -> dict:
    key = jax.random.key(seed)
    k1, k2 = jax.random.split(key)
    x = jax.random.normal(k1, (BATCH, DATA_DIM), dtype=jnp.float32)
    embed_table = jax.random.normal(k2, (DATA_DIM + 1, EMBED_DIM), dtype=jnp.float32) * 0.02
    t = 0
    return {"t": t, "x": x, "embed_table": embed_table}


def condense(x):
    # Faithful static-shape version of the torch condense: for each row, move
    # nonzero values to the front (stable order), positions are 1-based, 0 = pad.
    mask = x != 0
    order = jnp.argsort((~mask).astype(jnp.int32), axis=1)  # stable: nonzeros first
    mask_s = jnp.take_along_axis(mask, order, axis=1)
    x_s = jnp.take_along_axis(x, order, axis=1)
    values = jnp.where(mask_s, x_s, 0.0)
    positions = jnp.where(mask_s, order + 1, 0)
    return values, positions


def decondense(values, positions, size):
    B = values.shape[0]
    rows = jnp.arange(B)[:, None]
    # padded entries (positions==0) are routed to a dummy column `size`
    cols = jnp.where(positions > 0, positions - 1, size)
    y = jnp.zeros((B, size + 1), dtype=values.dtype)
    y = y.at[rows, cols].set(jnp.where(positions > 0, values, 0.0))
    return y[:, :size]


def reference(t, x, embed_table):
    v, p = condense(x)
    id_embed = jnp.take(embed_table, p, axis=0)  # [B, L, EMBED_DIM]; computed but unused, as in torch
    y = decondense(v, p, DATA_DIM)
    return y

if __name__ == "__main__":
    import jax
    _d = setup_inputs()
    print(jax.jit(kernel)(*tuple(_d.values())))

</pallas_src>

<mosaic_0001>
#map = affine_map<(d0, d1) -> (0, 0)>
module attributes {stable_mosaic.version = 14 : i64} {
  func.func @sc_kernel(%arg0: i32, %arg1: i32, %arg2: memref<128x4096xf32, #tpu.memory_space<hbm>>, %arg3: memref<128x4096xf32, #tpu.memory_space<hbm>>, %arg4: memref<4x4096xf32, #tpu.memory_space<vmem>>, %arg5: memref<!tpu.dma_semaphore, #tpu.memory_space<semaphore_mem>>, %arg6: memref<!tpu.dma_semaphore, #tpu.memory_space<semaphore_mem>>) attributes {dimension_semantics = [#tpu.dimension_semantics<core_parallel>, #tpu.dimension_semantics<subcore_parallel>], iteration_bounds = array<i64: 2, 16>, scalar_prefetch = 0 : i64, scratch_operands = 3 : i64, tpu.core_type = #tpu.core_type<sc_vector_subcore>, window_params = [{transform_indices = #map}, {transform_indices = #map}]} {
    %mul3A = arith.constant 2 : i32
    %mul3A_0 = arith.muli %arg1, %mul3A : i32
    %add3A = arith.addi %mul3A_0, %arg0 : i32
    %mul3A_1 = arith.constant 4 : i32
    %mul3A_2 = arith.muli %add3A, %mul3A_1 : i32
    %add3A_3 = arith.constant 0 : i32
    %add3A_4 = arith.addi %mul3A_2, %add3A_3 : i32
    %dma_start3A = arith.constant 0 : i32
    %dma_start3A_5 = arith.constant 0 : i32
    %dma_start3A_6 = tpu.memref_slice %arg4[%dma_start3A, %dma_start3A_5] : memref<4x4096xf32, #tpu.memory_space<vmem>> -> memref<1x4096xf32, #tpu.memory_space<vmem>>
    %dma_start3A_7 = arith.constant 0 : i32
    %dma_start3A_8 = tpu.memref_slice %arg2[%add3A_4, %dma_start3A_7] : memref<128x4096xf32, #tpu.memory_space<hbm>> -> memref<1x4096xf32, #tpu.memory_space<hbm>>
    %dma_start3A_9 = arith.constant 0 : i32
    %dma_start3A_10 = arith.constant 0 : i32
    %dma_start3A_11 = tpu.memref_slice %arg4[%dma_start3A_9, %dma_start3A_10] : memref<4x4096xf32, #tpu.memory_space<vmem>> -> memref<1x4096xf32, #tpu.memory_space<vmem>>
    %dma_start3A_12 = arith.constant 0 : i32
    %dma_start3A_13 = tpu.memref_slice %arg2[%add3A_4, %dma_start3A_12] : memref<128x4096xf32, #tpu.memory_space<hbm>> -> memref<1x4096xf32, #tpu.memory_space<hbm>>
    tpu.enqueue_dma source(%dma_start3A_13 : memref<1x4096xf32, #tpu.memory_space<hbm>>) target(%dma_start3A_11 : memref<1x4096xf32, #tpu.memory_space<vmem>>) target_semaphore(%arg5 : memref<!tpu.dma_semaphore, #tpu.memory_space<semaphore_mem>>)
    %add3A_14 = arith.constant 1 : i32
    %add3A_15 = arith.addi %mul3A_2, %add3A_14 : i32
    %dma_start3A_16 = arith.constant 1 : i32
    %dma_start3A_17 = arith.constant 0 : i32
    %dma_start3A_18 = tpu.memref_slice %arg4[%dma_start3A_16, %dma_start3A_17] : memref<4x4096xf32, #tpu.memory_space<vmem>> -> memref<1x4096xf32, #tpu.memory_space<vmem>>
    %dma_start3A_19 = arith.constant 0 : i32
    %dma_start3A_20 = tpu.memref_slice %arg2[%add3A_15, %dma_start3A_19] : memref<128x4096xf32, #tpu.memory_space<hbm>> -> memref<1x4096xf32, #tpu.memory_space<hbm>>
    %dma_start3A_21 = arith.constant 1 : i32
    %dma_start3A_22 = arith.constant 0 : i32
    %dma_start3A_23 = tpu.memref_slice %arg4[%dma_start3A_21, %dma_start3A_22] : memref<4x4096xf32, #tpu.memory_space<vmem>> -> memref<1x4096xf32, #tpu.memory_space<vmem>>
    %dma_start3A_24 = arith.constant 0 : i32
    %dma_start3A_25 = tpu.memref_slice %arg2[%add3A_15, %dma_start3A_24] : memref<128x4096xf32, #tpu.memory_space<hbm>> -> memref<1x4096xf32, #tpu.memory_space<hbm>>
    tpu.enqueue_dma source(%dma_start3A_25 : memref<1x4096xf32, #tpu.memory_space<hbm>>) target(%dma_start3A_23 : memref<1x4096xf32, #tpu.memory_space<vmem>>) target_semaphore(%arg5 : memref<!tpu.dma_semaphore, #tpu.memory_space<semaphore_mem>>)
    %add3A_26 = arith.constant 2 : i32
    %add3A_27 = arith.addi %mul3A_2, %add3A_26 : i32
    %dma_start3A_28 = arith.constant 2 : i32
    %dma_start3A_29 = arith.constant 0 : i32
    %dma_start3A_30 = tpu.memref_slice %arg4[%dma_start3A_28, %dma_start3A_29] : memref<4x4096xf32, #tpu.memory_space<vmem>> -> memref<1x4096xf32, #tpu.memory_space<vmem>>
    %dma_start3A_31 = arith.constant 0 : i32
    %dma_start3A_32 = tpu.memref_slice %arg2[%add3A_27, %dma_start3A_31] : memref<128x4096xf32, #tpu.memory_space<hbm>> -> memref<1x4096xf32, #tpu.memory_space<hbm>>
    %dma_start3A_33 = arith.constant 2 : i32
    %dma_start3A_34 = arith.constant 0 : i32
    %dma_start3A_35 = tpu.memref_slice %arg4[%dma_start3A_33, %dma_start3A_34] : memref<4x4096xf32, #tpu.memory_space<vmem>> -> memref<1x4096xf32, #tpu.memory_space<vmem>>
    %dma_start3A_36 = arith.constant 0 : i32
    %dma_start3A_37 = tpu.memref_slice %arg2[%add3A_27, %dma_start3A_36] : memref<128x4096xf32, #tpu.memory_space<hbm>> -> memref<1x4096xf32, #tpu.memory_space<hbm>>
    tpu.enqueue_dma source(%dma_start3A_37 : memref<1x4096xf32, #tpu.memory_space<hbm>>) target(%dma_start3A_35 : memref<1x4096xf32, #tpu.memory_space<vmem>>) target_semaphore(%arg5 : memref<!tpu.dma_semaphore, #tpu.memory_space<semaphore_mem>>)
    %add3A_38 = arith.constant 3 : i32
    %add3A_39 = arith.addi %mul3A_2, %add3A_38 : i32
    %dma_start3A_40 = arith.constant 3 : i32
    %dma_start3A_41 = arith.constant 0 : i32
    %dma_start3A_42 = tpu.memref_slice %arg4[%dma_start3A_40, %dma_start3A_41] : memref<4x4096xf32, #tpu.memory_space<vmem>> -> memref<1x4096xf32, #tpu.memory_space<vmem>>
    %dma_start3A_43 = arith.constant 0 : i32
    %dma_start3A_44 = tpu.memref_slice %arg2[%add3A_39, %dma_start3A_43] : memref<128x4096xf32, #tpu.memory_space<hbm>> -> memref<1x4096xf32, #tpu.memory_space<hbm>>
    %dma_start3A_45 = arith.constant 3 : i32
    %dma_start3A_46 = arith.constant 0 : i32
    %dma_start3A_47 = tpu.memref_slice %arg4[%dma_start3A_45, %dma_start3A_46] : memref<4x4096xf32, #tpu.memory_space<vmem>> -> memref<1x4096xf32, #tpu.memory_space<vmem>>
    %dma_start3A_48 = arith.constant 0 : i32
    %dma_start3A_49 = tpu.memref_slice %arg2[%add3A_39, %dma_start3A_48] : memref<128x4096xf32, #tpu.memory_space<hbm>> -> memref<1x4096xf32, #tpu.memory_space<hbm>>
    tpu.enqueue_dma source(%dma_start3A_49 : memref<1x4096xf32, #tpu.memory_space<hbm>>) target(%dma_start3A_47 : memref<1x4096xf32, #tpu.memory_space<vmem>>) target_semaphore(%arg5 : memref<!tpu.dma_semaphore, #tpu.memory_space<semaphore_mem>>)
    %dma_wait3A = arith.constant 0 : i32
    %dma_wait3A_50 = arith.constant 0 : i32
    %dma_wait3A_51 = tpu.memref_slice %arg4[%dma_wait3A, %dma_wait3A_50] : memref<4x4096xf32, #tpu.memory_space<vmem>> -> memref<1x4096xf32, #tpu.memory_space<vmem>>
    %dma_wait3A_52 = arith.constant 0 : i32
    %dma_wait3A_53 = tpu.memref_slice %arg2[%add3A_4, %dma_wait3A_52] : memref<128x4096xf32, #tpu.memory_space<hbm>> -> memref<1x4096xf32, #tpu.memory_space<hbm>>
    %dma_wait3A_54 = arith.constant 0 : i32
    %dma_wait3A_55 = arith.constant 0 : i32
    %dma_wait3A_56 = tpu.memref_slice %arg4[%dma_wait3A_54, %dma_wait3A_55] : memref<4x4096xf32, #tpu.memory_space<vmem>> -> memref<1x4096xf32, #tpu.memory_space<vmem>>
    %dma_wait3A_57 = arith.constant 0 : i32
    %dma_wait3A_58 = tpu.memref_slice %arg2[%add3A_4, %dma_wait3A_57] : memref<128x4096xf32, #tpu.memory_space<hbm>> -> memref<1x4096xf32, #tpu.memory_space<hbm>>
    tpu.wait_dma2 semaphore(%arg5 : memref<!tpu.dma_semaphore, #tpu.memory_space<semaphore_mem>>) src(%dma_wait3A_58 : memref<1x4096xf32, #tpu.memory_space<hbm>>) dst(%dma_wait3A_56 : memref<1x4096xf32, #tpu.memory_space<vmem>>)
    %parallel_loop3A = arith.constant 0 : i32
    %parallel_loop3A_59 = arith.constant 4096 : i32
    %parallel_loop3A_60 = arith.constant 16 : i32
    scf.for %parallel_loop3A_188 = %parallel_loop3A to %parallel_loop3A_59 step %parallel_loop3A_60  : i32 {
      %parallel_loop3A_189 = arith.constant 0 : i32
      %parallel_loop3A_190 = arith.index_cast %parallel_loop3A_189 : i32 to index
      %parallel_loop3A_191 = arith.index_cast %parallel_loop3A_188 : i32 to index
      %parallel_loop3A_192 = tpu.vector_load %arg4[%parallel_loop3A_190, %parallel_loop3A_191] {strides = array<i32>} : memref<4x4096xf32, #tpu.memory_space<vmem>>, vector<1x16xf32>,
      %parallel_loop3A_193 = vector.shape_cast %parallel_loop3A_192 : vector<1x16xf32> to vector<16xf32>
      %parallel_loop3A_194 = arith.constant 0.000000e+00 : f32
      %parallel_loop3A_195 = vector.broadcast %parallel_loop3A_194 : f32 to vector<16xf32>
      %parallel_loop3A_196 = arith.cmpf one, %parallel_loop3A_193, %parallel_loop3A_195 : vector<16xf32>
      %parallel_loop3A_197 = arith.constant 0.000000e+00 : f32
      %parallel_loop3A_198 = vector.broadcast %parallel_loop3A_197 : f32 to vector<16xf32>
      %parallel_loop3A_199 = arith.select %parallel_loop3A_196, %parallel_loop3A_193, %parallel_loop3A_198 : vector<16xi1>, vector<16xf32>
      %parallel_loop3A_200 = arith.constant 0 : i32
      %parallel_loop3A_201 = arith.index_cast %parallel_loop3A_200 : i32 to index
      %parallel_loop3A_202 = arith.index_cast %parallel_loop3A_188 : i32 to index
      %parallel_loop3A_203 = tpu.vector_load %arg4[%parallel_loop3A_201, %parallel_loop3A_202] {strides = array<i32>} : memref<4x4096xf32, #tpu.memory_space<vmem>>, vector<1x16xf32>,
      %parallel_loop3A_204 = vector.shape_cast %parallel_loop3A_203 : vector<1x16xf32> to vector<16xf32>
      %parallel_loop3A_205 = vector.shape_cast %parallel_loop3A_199 : vector<16xf32> to vector<1x16xf32>
      tpu.vector_store %arg4[%parallel_loop3A_201, %parallel_loop3A_202], %parallel_loop3A_205 {strides = array<i32>} : memref<4x4096xf32, #tpu.memory_space<vmem>>, vector<1x16xf32>,
    } {sc.loop_unroll_factor = 8 : i64, sc.parallel_access}
    %add3A_61 = arith.constant 0 : i32
    %add3A_62 = arith.addi %mul3A_2, %add3A_61 : i32
    %dma_start3A_63 = arith.constant 0 : i32
    %dma_start3A_64 = arith.constant 0 : i32
    %dma_start3A_65 = tpu.memref_slice %arg4[%dma_start3A_63, %dma_start3A_64] : memref<4x4096xf32, #tpu.memory_space<vmem>> -> memref<1x4096xf32, #tpu.memory_space<vmem>>
    %dma_start3A_66 = arith.constant 0 : i32
    %dma_start3A_67 = tpu.memref_slice %arg3[%add3A_62, %dma_start3A_66] : memref<128x4096xf32, #tpu.memory_space<hbm>> -> memref<1x4096xf32, #tpu.memory_space<hbm>>
    %dma_start3A_68 = arith.constant 0 : i32
    %dma_start3A_69 = tpu.memref_slice %arg3[%add3A_62, %dma_start3A_68] : memref<128x4096xf32, #tpu.memory_space<hbm>> -> memref<1x4096xf32, #tpu.memory_space<hbm>>
    %dma_start3A_70 = arith.constant 0 : i32
    %dma_start3A_71 = arith.constant 0 : i32
    %dma_start3A_72 = tpu.memref_slice %arg4[%dma_start3A_70, %dma_start3A_71] : memref<4x4096xf32, #tpu.memory_space<vmem>> -> memref<1x4096xf32, #tpu.memory_space<vmem>>
    tpu.enqueue_dma source(%dma_start3A_72 : memref<1x4096xf32, #tpu.memory_space<vmem>>) target(%dma_start3A_69 : memref<1x4096xf32, #tpu.memory_space<hbm>>) target_semaphore(%arg6 : memref<!tpu.dma_semaphore, #tpu.memory_space<semaphore_mem>>)
    %dma_wait3A_73 = arith.constant 1 : i32
    %dma_wait3A_74 = arith.constant 0 : i32
    %dma_wait3A_75 = tpu.memref_slice %arg4[%dma_wait3A_73, %dma_wait3A_74] : memref<4x4096xf32, #tpu.memory_space<vmem>> -> memref<1x4096xf32, #tpu.memory_space<vmem>>
    %dma_wait3A_76 = arith.constant 0 : i32
    %dma_wait3A_77 = tpu.memref_slice %arg2[%add3A_15, %dma_wait3A_76] : memref<128x4096xf32, #tpu.memory_space<hbm>> -> memref<1x4096xf32, #tpu.memory_space<hbm>>
    %dma_wait3A_78 = arith.constant 1 : i32
    %dma_wait3A_79 = arith.constant 0 : i32
    %dma_wait3A_80 = tpu.memref_slice %arg4[%dma_wait3A_78, %dma_wait3A_79] : memref<4x4096xf32, #tpu.memory_space<vmem>> -> memref<1x4096xf32, #tpu.memory_space<vmem>>
    %dma_wait3A_81 = arith.constant 0 : i32
    %dma_wait3A_82 = tpu.memref_slice %arg2[%add3A_15, %dma_wait3A_81] : memref<128x4096xf32, #tpu.memory_space<hbm>> -> memref<1x4096xf32, #tpu.memory_space<hbm>>
    tpu.wait_dma2 semaphore(%arg5 : memref<!tpu.dma_semaphore, #tpu.memory_space<semaphore_mem>>) src(%dma_wait3A_82 : memref<1x4096xf32, #tpu.memory_space<hbm>>) dst(%dma_wait3A_80 : memref<1x4096xf32, #tpu.memory_space<vmem>>)
    %parallel_loop3A_83 = arith.constant 0 : i32
    %parallel_loop3A_84 = arith.constant 4096 : i32
    %parallel_loop3A_85 = arith.constant 16 : i32
    scf.for %parallel_loop3A_188 = %parallel_loop3A_83 to %parallel_loop3A_84 step %parallel_loop3A_85  : i32 {
      %parallel_loop3A_189 = arith.constant 1 : i32
      %parallel_loop3A_190 = arith.index_cast %parallel_loop3A_189 : i32 to index
      %parallel_loop3A_191 = arith.index_cast %parallel_loop3A_188 : i32 to index
      %parallel_loop3A_192 = tpu.vector_load %arg4[%parallel_loop3A_190, %parallel_loop3A_191] {strides = array<i32>} : memref<4x4096xf32, #tpu.memory_space<vmem>>, vector<1x16xf32>,
      %parallel_loop3A_193 = vector.shape_cast %parallel_loop3A_192 : vector<1x16xf32> to vector<16xf32>
      %parallel_loop3A_194 = arith.constant 0.000000e+00 : f32
      %parallel_loop3A_195 = vector.broadcast %parallel_loop3A_194 : f32 to vector<16xf32>
      %parallel_loop3A_196 = arith.cmpf one, %parallel_loop3A_193, %parallel_loop3A_195 : vector<16xf32>
      %parallel_loop3A_197 = arith.constant 0.000000e+00 : f32
      %parallel_loop3A_198 = vector.broadcast %parallel_loop3A_197 : f32 to vector<16xf32>
      %parallel_loop3A_199 = arith.select %parallel_loop3A_196, %parallel_loop3A_193, %parallel_loop3A_198 : vector<16xi1>, vector<16xf32>
      %parallel_loop3A_200 = arith.constant 1 : i32
      %parallel_loop3A_201 = arith.index_cast %parallel_loop3A_200 : i32 to index
      %parallel_loop3A_202 = arith.index_cast %parallel_loop3A_188 : i32 to index
      %parallel_loop3A_203 = tpu.vector_load %arg4[%parallel_loop3A_201, %parallel_loop3A_202] {strides = array<i32>} : memref<4x4096xf32, #tpu.memory_space<vmem>>, vector<1x16xf32>,
      %parallel_loop3A_204 = vector.shape_cast %parallel_loop3A_203 : vector<1x16xf32> to vector<16xf32>
      %parallel_loop3A_205 = vector.shape_cast %parallel_loop3A_199 : vector<16xf32> to vector<1x16xf32>
      tpu.vector_store %arg4[%parallel_loop3A_201, %parallel_loop3A_202], %parallel_loop3A_205 {strides = array<i32>} : memref<4x4096xf32, #tpu.memory_space<vmem>>, vector<1x16xf32>,
    } {sc.loop_unroll_factor = 8 : i64, sc.parallel_access}
    %add3A_86 = arith.constant 1 : i32
    %add3A_87 = arith.addi %mul3A_2, %add3A_86 : i32
    %dma_start3A_88 = arith.constant 1 : i32
    %dma_start3A_89 = arith.constant 0 : i32
    %dma_start3A_90 = tpu.memref_slice %arg4[%dma_start3A_88, %dma_start3A_89] : memref<4x4096xf32, #tpu.memory_space<vmem>> -> memref<1x4096xf32, #tpu.memory_space<vmem>>
    %dma_start3A_91 = arith.constant 0 : i32
    %dma_start3A_92 = tpu.memref_slice %arg3[%add3A_87, %dma_start3A_91] : memref<128x4096xf32, #tpu.memory_space<hbm>> -> memref<1x4096xf32, #tpu.memory_space<hbm>>
    %dma_start3A_93 = arith.constant 0 : i32
    %dma_start3A_94 = tpu.memref_slice %arg3[%add3A_87, %dma_start3A_93] : memref<128x4096xf32, #tpu.memory_space<hbm>> -> memref<1x4096xf32, #tpu.memory_space<hbm>>
    %dma_start3A_95 = arith.constant 1 : i32
    %dma_start3A_96 = arith.constant 0 : i32
    %dma_start3A_97 = tpu.memref_slice %arg4[%dma_start3A_95, %dma_start3A_96] : memref<4x4096xf32, #tpu.memory_space<vmem>> -> memref<1x4096xf32, #tpu.memory_space<vmem>>
    tpu.enqueue_dma source(%dma_start3A_97 : memref<1x4096xf32, #tpu.memory_space<vmem>>) target(%dma_start3A_94 : memref<1x4096xf32, #tpu.memory_space<hbm>>) target_semaphore(%arg6 : memref<!tpu.dma_semaphore, #tpu.memory_space<semaphore_mem>>)
    %dma_wait3A_98 = arith.constant 2 : i32
    %dma_wait3A_99 = arith.constant 0 : i32
    %dma_wait3A_100 = tpu.memref_slice %arg4[%dma_wait3A_98, %dma_wait3A_99] : memref<4x4096xf32, #tpu.memory_space<vmem>> -> memref<1x4096xf32, #tpu.memory_space<vmem>>
    %dma_wait3A_101 = arith.constant 0 : i32
    %dma_wait3A_102 = tpu.memref_slice %arg2[%add3A_27, %dma_wait3A_101] : memref<128x4096xf32, #tpu.memory_space<hbm>> -> memref<1x4096xf32, #tpu.memory_space<hbm>>
    %dma_wait3A_103 = arith.constant 2 : i32
    %dma_wait3A_104 = arith.constant 0 : i32
    %dma_wait3A_105 = tpu.memref_slice %arg4[%dma_wait3A_103, %dma_wait3A_104] : memref<4x4096xf32, #tpu.memory_space<vmem>> -> memref<1x4096xf32, #tpu.memory_space<vmem>>
    %dma_wait3A_106 = arith.constant 0 : i32
    %dma_wait3A_107 = tpu.memref_slice %arg2[%add3A_27, %dma_wait3A_106] : memref<128x4096xf32, #tpu.memory_space<hbm>> -> memref<1x4096xf32, #tpu.memory_space<hbm>>
    tpu.wait_dma2 semaphore(%arg5 : memref<!tpu.dma_semaphore, #tpu.memory_space<semaphore_mem>>) src(%dma_wait3A_107 : memref<1x4096xf32, #tpu.memory_space<hbm>>) dst(%dma_wait3A_105 : memref<1x4096xf32, #tpu.memory_space<vmem>>)
    %parallel_loop3A_108 = arith.constant 0 : i32
    %parallel_loop3A_109 = arith.constant 4096 : i32
    %parallel_loop3A_110 = arith.constant 16 : i32
    scf.for %parallel_loop3A_188 = %parallel_loop3A_108 to %parallel_loop3A_109 step %parallel_loop3A_110  : i32 {
      %parallel_loop3A_189 = arith.constant 2 : i32
      %parallel_loop3A_190 = arith.index_cast %parallel_loop3A_189 : i32 to index
      %parallel_loop3A_191 = arith.index_cast %parallel_loop3A_188 : i32 to index
      %parallel_loop3A_192 = tpu.vector_load %arg4[%parallel_loop3A_190, %parallel_loop3A_191] {strides = array<i32>} : memref<4x4096xf32, #tpu.memory_space<vmem>>, vector<1x16xf32>,
      %parallel_loop3A_193 = vector.shape_cast %parallel_loop3A_192 : vector<1x16xf32> to vector<16xf32>
      %parallel_loop3A_194 = arith.constant 0.000000e+00 : f32
      %parallel_loop3A_195 = vector.broadcast %parallel_loop3A_194 : f32 to vector<16xf32>
      %parallel_loop3A_196 = arith.cmpf one, %parallel_loop3A_193, %parallel_loop3A_195 : vector<16xf32>
      %parallel_loop3A_197 = arith.constant 0.000000e+00 : f32
      %parallel_loop3A_198 = vector.broadcast %parallel_loop3A_197 : f32 to vector<16xf32>
      %parallel_loop3A_199 = arith.select %parallel_loop3A_196, %parallel_loop3A_193, %parallel_loop3A_198 : vector<16xi1>, vector<16xf32>
      %parallel_loop3A_200 = arith.constant 2 : i32
      %parallel_loop3A_201 = arith.index_cast %parallel_loop3A_200 : i32 to index
      %parallel_loop3A_202 = arith.index_cast %parallel_loop3A_188 : i32 to index
      %parallel_loop3A_203 = tpu.vector_load %arg4[%parallel_loop3A_201, %parallel_loop3A_202] {strides = array<i32>} : memref<4x4096xf32, #tpu.memory_space<vmem>>, vector<1x16xf32>,
      %parallel_loop3A_204 = vector.shape_cast %parallel_loop3A_203 : vector<1x16xf32> to vector<16xf32>
      %parallel_loop3A_205 = vector.shape_cast %parallel_loop3A_199 : vector<16xf32> to vector<1x16xf32>
      tpu.vector_store %arg4[%parallel_loop3A_201, %parallel_loop3A_202], %parallel_loop3A_205 {strides = array<i32>} : memref<4x4096xf32, #tpu.memory_space<vmem>>, vector<1x16xf32>,
    } {sc.loop_unroll_factor = 8 : i64, sc.parallel_access}
    %add3A_111 = arith.constant 2 : i32
    %add3A_112 = arith.addi %mul3A_2, %add3A_111 : i32
    %dma_start3A_113 = arith.constant 2 : i32
    %dma_start3A_114 = arith.constant 0 : i32
    %dma_start3A_115 = tpu.memref_slice %arg4[%dma_start3A_113, %dma_start3A_114] : memref<4x4096xf32, #tpu.memory_space<vmem>> -> memref<1x4096xf32, #tpu.memory_space<vmem>>
    %dma_start3A_116 = arith.constant 0 : i32
    %dma_start3A_117 = tpu.memref_slice %arg3[%add3A_112, %dma_start3A_116] : memref<128x4096xf32, #tpu.memory_space<hbm>> -> memref<1x4096xf32, #tpu.memory_space<hbm>>
    %dma_start3A_118 = arith.constant 0 : i32
    %dma_start3A_119 = tpu.memref_slice %arg3[%add3A_112, %dma_start3A_118] : memref<128x4096xf32, #tpu.memory_space<hbm>> -> memref<1x4096xf32, #tpu.memory_space<hbm>>
    %dma_start3A_120 = arith.constant 2 : i32
    %dma_start3A_121 = arith.constant 0 : i32
    %dma_start3A_122 = tpu.memref_slice %arg4[%dma_start3A_120, %dma_start3A_121] : memref<4x4096xf32, #tpu.memory_space<vmem>> -> memref<1x4096xf32, #tpu.memory_space<vmem>>
    tpu.enqueue_dma source(%dma_start3A_122 : memref<1x4096xf32, #tpu.memory_space<vmem>>) target(%dma_start3A_119 : memref<1x4096xf32, #tpu.memory_space<hbm>>) target_semaphore(%arg6 : memref<!tpu.dma_semaphore, #tpu.memory_space<semaphore_mem>>)
    %dma_wait3A_123 = arith.constant 3 : i32
    %dma_wait3A_124 = arith.constant 0 : i32
    %dma_wait3A_125 = tpu.memref_slice %arg4[%dma_wait3A_123, %dma_wait3A_124] : memref<4x4096xf32, #tpu.memory_space<vmem>> -> memref<1x4096xf32, #tpu.memory_space<vmem>>
    %dma_wait3A_126 = arith.constant 0 : i32
    %dma_wait3A_127 = tpu.memref_slice %arg2[%add3A_39, %dma_wait3A_126] : memref<128x4096xf32, #tpu.memory_space<hbm>> -> memref<1x4096xf32, #tpu.memory_space<hbm>>
    %dma_wait3A_128 = arith.constant 3 : i32
    %dma_wait3A_129 = arith.constant 0 : i32
    %dma_wait3A_130 = tpu.memref_slice %arg4[%dma_wait3A_128, %dma_wait3A_129] : memref<4x4096xf32, #tpu.memory_space<vmem>> -> memref<1x4096xf32, #tpu.memory_space<vmem>>
    %dma_wait3A_131 = arith.constant 0 : i32
    %dma_wait3A_132 = tpu.memref_slice %arg2[%add3A_39, %dma_wait3A_131] : memref<128x4096xf32, #tpu.memory_space<hbm>> -> memref<1x4096xf32, #tpu.memory_space<hbm>>
    tpu.wait_dma2 semaphore(%arg5 : memref<!tpu.dma_semaphore, #tpu.memory_space<semaphore_mem>>) src(%dma_wait3A_132 : memref<1x4096xf32, #tpu.memory_space<hbm>>) dst(%dma_wait3A_130 : memref<1x4096xf32, #tpu.memory_space<vmem>>)
    %parallel_loop3A_133 = arith.constant 0 : i32
    %parallel_loop3A_134 = arith.constant 4096 : i32
    %parallel_loop3A_135 = arith.constant 16 : i32
    scf.for %parallel_loop3A_188 = %parallel_loop3A_133 to %parallel_loop3A_134 step %parallel_loop3A_135  : i32 {
      %parallel_loop3A_189 = arith.constant 3 : i32
      %parallel_loop3A_190 = arith.index_cast %parallel_loop3A_189 : i32 to index
      %parallel_loop3A_191 = arith.index_cast %parallel_loop3A_188 : i32 to index
      %parallel_loop3A_192 = tpu.vector_load %arg4[%parallel_loop3A_190, %parallel_loop3A_191] {strides = array<i32>} : memref<4x4096xf32, #tpu.memory_space<vmem>>, vector<1x16xf32>,
      %parallel_loop3A_193 = vector.shape_cast %parallel_loop3A_192 : vector<1x16xf32> to vector<16xf32>
      %parallel_loop3A_194 = arith.constant 0.000000e+00 : f32
      %parallel_loop3A_195 = vector.broadcast %parallel_loop3A_194 : f32 to vector<16xf32>
      %parallel_loop3A_196 = arith.cmpf one, %parallel_loop3A_193, %parallel_loop3A_195 : vector<16xf32>
      %parallel_loop3A_197 = arith.constant 0.000000e+00 : f32
      %parallel_loop3A_198 = vector.broadcast %parallel_loop3A_197 : f32 to vector<16xf32>
      %parallel_loop3A_199 = arith.select %parallel_loop3A_196, %parallel_loop3A_193, %parallel_loop3A_198 : vector<16xi1>, vector<16xf32>
      %parallel_loop3A_200 = arith.constant 3 : i32
      %parallel_loop3A_201 = arith.index_cast %parallel_loop3A_200 : i32 to index
      %parallel_loop3A_202 = arith.index_cast %parallel_loop3A_188 : i32 to index
      %parallel_loop3A_203 = tpu.vector_load %arg4[%parallel_loop3A_201, %parallel_loop3A_202] {strides = array<i32>} : memref<4x4096xf32, #tpu.memory_space<vmem>>, vector<1x16xf32>,
      %parallel_loop3A_204 = vector.shape_cast %parallel_loop3A_203 : vector<1x16xf32> to vector<16xf32>
      %parallel_loop3A_205 = vector.shape_cast %parallel_loop3A_199 : vector<16xf32> to vector<1x16xf32>
      tpu.vector_store %arg4[%parallel_loop3A_201, %parallel_loop3A_202], %parallel_loop3A_205 {strides = array<i32>} : memref<4x4096xf32, #tpu.memory_space<vmem>>, vector<1x16xf32>,
    } {sc.loop_unroll_factor = 8 : i64, sc.parallel_access}
    %add3A_136 = arith.constant 3 : i32
    %add3A_137 = arith.addi %mul3A_2, %add3A_136 : i32
    %dma_start3A_138 = arith.constant 3 : i32
    %dma_start3A_139 = arith.constant 0 : i32
    %dma_start3A_140 = tpu.memref_slice %arg4[%dma_start3A_138, %dma_start3A_139] : memref<4x4096xf32, #tpu.memory_space<vmem>> -> memref<1x4096xf32, #tpu.memory_space<vmem>>
    %dma_start3A_141 = arith.constant 0 : i32
    %dma_start3A_142 = tpu.memref_slice %arg3[%add3A_137, %dma_start3A_141] : memref<128x4096xf32, #tpu.memory_space<hbm>> -> memref<1x4096xf32, #tpu.memory_space<hbm>>
    %dma_start3A_143 = arith.constant 0 : i32
    %dma_start3A_144 = tpu.memref_slice %arg3[%add3A_137, %dma_start3A_143] : memref<128x4096xf32, #tpu.memory_space<hbm>> -> memref<1x4096xf32, #tpu.memory_space<hbm>>
    %dma_start3A_145 = arith.constant 3 : i32
    %dma_start3A_146 = arith.constant 0 : i32
    %dma_start3A_147 = tpu.memref_slice %arg4[%dma_start3A_145, %dma_start3A_146] : memref<4x4096xf32, #tpu.memory_space<vmem>> -> memref<1x4096xf32, #tpu.memory_space<vmem>>
    tpu.enqueue_dma source(%dma_start3A_147 : memref<1x4096xf32, #tpu.memory_space<vmem>>) target(%dma_start3A_144 : memref<1x4096xf32, #tpu.memory_space<hbm>>) target_semaphore(%arg6 : memref<!tpu.dma_semaphore, #tpu.memory_space<semaphore_mem>>)
    %dma_wait3A_148 = arith.constant 0 : i32
    %dma_wait3A_149 = arith.constant 0 : i32
    %dma_wait3A_150 = tpu.memref_slice %arg4[%dma_wait3A_148, %dma_wait3A_149] : memref<4x4096xf32, #tpu.memory_space<vmem>> -> memref<1x4096xf32, #tpu.memory_space<vmem>>
    %dma_wait3A_151 = arith.constant 0 : i32
    %dma_wait3A_152 = tpu.memref_slice %arg3[%add3A_62, %dma_wait3A_151] : memref<128x4096xf32, #tpu.memory_space<hbm>> -> memref<1x4096xf32, #tpu.memory_space<hbm>>
    %dma_wait3A_153 = arith.constant 0 : i32
    %dma_wait3A_154 = tpu.memref_slice %arg3[%add3A_62, %dma_wait3A_153] : memref<128x4096xf32, #tpu.memory_space<hbm>> -> memref<1x4096xf32, #tpu.memory_space<hbm>>
    %dma_wait3A_155 = arith.constant 0 : i32
    %dma_wait3A_156 = arith.constant 0 : i32
    %dma_wait3A_157 = tpu.memref_slice %arg4[%dma_wait3A_155, %dma_wait3A_156] : memref<4x4096xf32, #tpu.memory_space<vmem>> -> memref<1x4096xf32, #tpu.memory_space<vmem>>
    tpu.wait_dma2 semaphore(%arg6 : memref<!tpu.dma_semaphore, #tpu.memory_space<semaphore_mem>>) src(%dma_wait3A_157 : memref<1x4096xf32, #tpu.memory_space<vmem>>) dst(%dma_wait3A_154 : memref<1x4096xf32, #tpu.memory_space<hbm>>)
    %dma_wait3A_158 = arith.constant 1 : i32
    %dma_wait3A_159 = arith.constant 0 : i32
    %dma_wait3A_160 = tpu.memref_slice %arg4[%dma_wait3A_158, %dma_wait3A_159] : memref<4x4096xf32, #tpu.memory_space<vmem>> -> memref<1x4096xf32, #tpu.memory_space<vmem>>
    %dma_wait3A_161 = arith.constant 0 : i32
    %dma_wait3A_162 = tpu.memref_slice %arg3[%add3A_87, %dma_wait3A_161] : memref<128x4096xf32, #tpu.memory_space<hbm>> -> memref<1x4096xf32, #tpu.memory_space<hbm>>
    %dma_wait3A_163 = arith.constant 0 : i32
    %dma_wait3A_164 = tpu.memref_slice %arg3[%add3A_87, %dma_wait3A_163] : memref<128x4096xf32, #tpu.memory_space<hbm>> -> memref<1x4096xf32, #tpu.memory_space<hbm>>
    %dma_wait3A_165 = arith.constant 1 : i32
    %dma_wait3A_166 = arith.constant 0 : i32
    %dma_wait3A_167 = tpu.memref_slice %arg4[%dma_wait3A_165, %dma_wait3A_166] : memref<4x4096xf32, #tpu.memory_space<vmem>> -> memref<1x4096xf32, #tpu.memory_space<vmem>>
    tpu.wait_dma2 semaphore(%arg6 : memref<!tpu.dma_semaphore, #tpu.memory_space<semaphore_mem>>) src(%dma_wait3A_167 : memref<1x4096xf32, #tpu.memory_space<vmem>>) dst(%dma_wait3A_164 : memref<1x4096xf32, #tpu.memory_space<hbm>>)
    %dma_wait3A_168 = arith.constant 2 : i32
    %dma_wait3A_169 = arith.constant 0 : i32
    %dma_wait3A_170 = tpu.memref_slice %arg4[%dma_wait3A_168, %dma_wait3A_169] : memref<4x4096xf32, #tpu.memory_space<vmem>> -> memref<1x4096xf32, #tpu.memory_space<vmem>>
    %dma_wait3A_171 = arith.constant 0 : i32
    %dma_wait3A_172 = tpu.memref_slice %arg3[%add3A_112, %dma_wait3A_171] : memref<128x4096xf32, #tpu.memory_space<hbm>> -> memref<1x4096xf32, #tpu.memory_space<hbm>>
    %dma_wait3A_173 = arith.constant 0 : i32
    %dma_wait3A_174 = tpu.memref_slice %arg3[%add3A_112, %dma_wait3A_173] : memref<128x4096xf32, #tpu.memory_space<hbm>> -> memref<1x4096xf32, #tpu.memory_space<hbm>>
    %dma_wait3A_175 = arith.constant 2 : i32
    %dma_wait3A_176 = arith.constant 0 : i32
    %dma_wait3A_177 = tpu.memref_slice %arg4[%dma_wait3A_175, %dma_wait3A_176] : memref<4x4096xf32, #tpu.memory_space<vmem>> -> memref<1x4096xf32, #tpu.memory_space<vmem>>
    tpu.wait_dma2 semaphore(%arg6 : memref<!tpu.dma_semaphore, #tpu.memory_space<semaphore_mem>>) src(%dma_wait3A_177 : memref<1x4096xf32, #tpu.memory_space<vmem>>) dst(%dma_wait3A_174 : memref<1x4096xf32, #tpu.memory_space<hbm>>)
    %dma_wait3A_178 = arith.constant 3 : i32
    %dma_wait3A_179 = arith.constant 0 : i32
    %dma_wait3A_180 = tpu.memref_slice %arg4[%dma_wait3A_178, %dma_wait3A_179] : memref<4x4096xf32, #tpu.memory_space<vmem>> -> memref<1x4096xf32, #tpu.memory_space<vmem>>
    %dma_wait3A_181 = arith.constant 0 : i32
    %dma_wait3A_182 = tpu.memref_slice %arg3[%add3A_137, %dma_wait3A_181] : memref<128x4096xf32, #tpu.memory_space<hbm>> -> memref<1x4096xf32, #tpu.memory_space<hbm>>
    %dma_wait3A_183 = arith.constant 0 : i32
    %dma_wait3A_184 = tpu.memref_slice %arg3[%add3A_137, %dma_wait3A_183] : memref<128x4096xf32, #tpu.memory_space<hbm>> -> memref<1x4096xf32, #tpu.memory_space<hbm>>
    %dma_wait3A_185 = arith.constant 3 : i32
    %dma_wait3A_186 = arith.constant 0 : i32
    %dma_wait3A_187 = tpu.memref_slice %arg4[%dma_wait3A_185, %dma_wait3A_186] : memref<4x4096xf32, #tpu.memory_space<vmem>> -> memref<1x4096xf32, #tpu.memory_space<vmem>>
    tpu.wait_dma2 semaphore(%arg6 : memref<!tpu.dma_semaphore, #tpu.memory_space<semaphore_mem>>) src(%dma_wait3A_187 : memref<1x4096xf32, #tpu.memory_space<vmem>>) dst(%dma_wait3A_184 : memref<1x4096xf32, #tpu.memory_space<hbm>>)
    return
  }
}

</mosaic_0001>

<sc_bundles>
// kernel: kernel.3.cloned.1.call-start
scs
__scs_entry_jumppad:
0x0: {  	(pc) =	sbr.rel $0x88, $3  }
0x1: {  	(tag) =	ssettag $0x0;
	lr =	simm.s32 $0x1  }
0x2: {  	[smem:$0x3FA0] =	sst lr;
	_ =	strace $0xD0000000  }
0x3: {  	_ = 	snop  }
0x4: {  	_ = 	snop  }
0x5: {  	_ = 	snop  }
0x6: {  	_ = 	snop  }
0x7: {  	_ = 	snop  }
__scs_overlays_trampoline_lowered:
0x8: {  	[smem:$0x3FAF] =	sst s0  }
0x9: {  	[smem:$0x3FB0] =	sst s1  }
0xa: {  	[smem:$0x3FB1] =	sst s2  }
0xb: {  	[smem:$0x3FB2] =	sst s3  }
0xc: {  	[smem:$0x3FB3] =	sst s4  }
0xd: {  	[smem:$0x3FB4] =	sst s5  }
0xe: {  	[smem:$0x3FB5] =	sst s6  }
0xf: {  	[smem:$0x3FB6] =	sst s7  }
0x10: {  	[smem:$0x3FB7] =	sst s8  }
0x11: {  	[smem:$0x3FB8] =	sst s9;
	s0 =	simm.s32 @!p0 $0x0  }
0x12: {  	s1 =	sld [smem:$0x3F9E];
	s0 =	simm.s32 @p0 $0x1  }
0x13: {  	[smem:$0x3FB9] =	sst s0;
	s0 =	simm.s32 @!p1 $0x0  }
0x14: {  	s2 =	sld [smem:$0x3F9D];
	s0 =	simm.s32 @p1 $0x1  }
0x15: {  	[smem:$0x3FBA] =	sst s0;
	s0 =	simm.s32 @!p2 $0x0  }
0x16: {  	s3 =	sld [smem:$0x3FDB];
	s0 =	simm.s32 @p2 $0x1  }
0x17: {  	s4 =	simm.s32 $0x1BF5;
	[smem:$0x3FBC] =	sst s0  }
0x18: {  	s0 =	sld [smem:$0x3F9F];
	_ =	swait.ge [sflag:s4], $0x0  }
0x19: {  	s7 =	sld [smem:$0x3FA0]  }
0x1a: {  	s8 =	sadd.s32 $0xFFFFE003, lr  }
0x1b: {  	s9 =	sadd.s32 $0xFFFFFEF7, lr;
	s5 =	simm.s32 $0xFFFFFFFF;
	p2 =	slt.u32 s8, $0xFFFFF086  }
0x1c: {  	p1 =	slt.u32 s9, $0xF7A;
	s5 =	simm.s32 @!p2 $0x0  }
0x1d: {  	s5 =	simm.s32 @p1 $0x1;
	p0 =	seq.s32 s7, s2  }
0x1e: {  	s7 =	smul.u32 @!p0 $0xF7A, s2;
	p2 =	seq.s32 @!p0 s5, $0x0  }
0x1f: {  	s9 =	smul.u32 $0xF7A, s1;
	s8 =	simm.s32 @!p0 $0x1BF5;
	p2 =	por !p2, p0  }
0x20: {  	[sflag:s8] =	ssyncset.s32 @!p0 $0xFFFFF086;
	s6 =	sadd.s32 @!p0 s3, s7;
	s7 =	simm.s32 @!p0 $0x108  }
0x21: {  	s3 =	sadd.s32 s3, s9;
	s6 =	sadd.s32 @!p0 $0x88, s6;
	s7 =	simm.s32 @p2 $0x1082  }
0x22: {  	[simem:s7], [sflag:s8] =	dma.local @!p0 [hbm:s6], $0xF7A  }
0x23: {  	s9 =	sor.u32 $0xD0000000, s2;
	s6 =	simm.s32 $0x108;
	_ =	swait.ge @!p0 [sflag:s8], $0x0  }
0x24: {  	s3 =	sadd.s32 $0x88, s3;
	s6 =	simm.s32 @!p1 $0x1082;
	[sflag:s4] =	ssyncset.s32 $0xFFFFF086  }
0x25: {  	[simem:s6], [sflag:s4] =	dma.local [hbm:s3], $0xF7A  }
0x26: {  	[smem:$0x3FA0] =	sst s1;
	(tag) =	ssettag s2;
	_ =	strace s9  }
0x27: {  	s1 =	sld [smem:$0x3FB0]  }
0x28: {  	s2 =	sld [smem:$0x3FB1]  }
0x29: {  	s4 =	sld [smem:$0x3FB3]  }
0x2a: {  	p0 =	seq.s32 s5, $0x0;
	s5 =	sld [smem:$0x3FB4]  }
0x2b: {  	s6 =	sld [smem:$0x3FB5]  }
0x2c: {  	s7 =	sld [smem:$0x3FB6]  }
0x2d: {  	s3 =	simm.s32 $0x108;
	s8 =	sld [smem:$0x3FB7]  }
0x2e: {  	s3 =	simm.s32 @!p0 $0x1082;
	s9 =	sld [smem:$0x3FB8]  }
0x2f: {  	lr =	sadd.s32 s0, s3;
	s0 =	sld [smem:$0x3FAF]  }
0x30: {  	s3 =	sld [smem:$0x3FB2]  }
0x31: {  	[smem:$0x3FBB] =	sst s10  }
0x32: {  	s10 =	sld [smem:$0x3FB9];
	_ =	sdelay $0x3  }
0x33: {  	p0 =	seq.s32 s10, $0x1;
	s10 =	sld [smem:$0x3FBB];
	_ =	sdelay $0x3  }
0x34: {  	[smem:$0x3FBB] =	sst s10  }
0x35: {  	s10 =	sld [smem:$0x3FBA];
	_ =	sdelay $0x3  }
0x36: {  	p1 =	seq.s32 s10, $0x1;
	s10 =	sld [smem:$0x3FBB];
	_ =	sdelay $0x3  }
0x37: {  	[smem:$0x3FBB] =	sst s10  }
0x38: {  	s10 =	sld [smem:$0x3FBC]  }
0x39: {  	_ = 	snop;
	(pc) =	sbr.ind lr, $3  }
0x3a: {  	_ = 	snop  }
0x3b: {  	_ = 	snop  }
0x3c: {  	p2 =	seq.s32 s10, $0x1;
	s10 =	sld [smem:$0x3FBB]  }
0x3d: {  	_ =	shalt  }
0x3e: {  	_ =	shalt  }
0x3f: {  	_ =	shalt  }
0x40: {  	_ =	shalt  }
0x41: {  	_ =	shalt  }
0x42: {  	_ =	shalt  }
0x43: {  	_ =	shalt  }
0x44: {  	_ =	shalt  }
0x45: {  	_ =	shalt  }
0x46: {  	_ =	shalt  }
0x47: {  	_ =	shalt  }
0x48: {  	_ =	shalt  }
0x49: {  	_ =	shalt  }
0x4a: {  	_ =	shalt  }
0x4b: {  	_ =	shalt  }
0x4c: {  	_ =	shalt  }
0x4d: {  	_ =	shalt  }
0x4e: {  	_ =	shalt  }
0x4f: {  	_ =	shalt  }
0x50: {  	_ =	shalt  }
0x51: {  	_ =	shalt  }
0x52: {  	_ =	shalt  }
0x53: {  	_ =	shalt  }
0x54: {  	_ =	shalt  }
0x55: {  	_ =	shalt  }
0x56: {  	_ =	shalt  }
0x57: {  	_ =	shalt  }
0x58: {  	_ =	shalt  }
0x59: {  	_ =	shalt  }
0x5a: {  	_ =	shalt  }
0x5b: {  	_ =	shalt  }
0x5c: {  	_ =	shalt  }
0x5d: {  	_ =	shalt  }
0x5e: {  	_ =	shalt  }
0x5f: {  	_ =	shalt  }
0x60: {  	_ =	shalt  }
0x61: {  	_ =	shalt  }
0x62: {  	_ =	shalt  }
0x63: {  	_ =	shalt  }
0x64: {  	_ =	shalt  }
0x65: {  	_ =	shalt  }
0x66: {  	_ =	shalt  }
0x67: {  	_ =	shalt  }
0x68: {  	_ =	shalt  }
0x69: {  	_ =	shalt  }
0x6a: {  	_ =	shalt  }
0x6b: {  	_ =	shalt  }
0x6c: {  	_ =	shalt  }
0x6d: {  	_ =	shalt  }
0x6e: {  	_ =	shalt  }
0x6f: {  	_ =	shalt  }
0x70: {  	_ =	shalt  }
0x71: {  	_ =	shalt  }
0x72: {  	_ =	shalt  }
0x73: {  	_ =	shalt  }
0x74: {  	_ =	shalt  }
0x75: {  	_ =	shalt  }
0x76: {  	_ =	shalt  }
0x77: {  	_ =	shalt  }
0x78: {  	_ =	shalt  }
0x79: {  	_ =	shalt  }
0x7a: {  	_ =	shalt  }
0x7b: {  	_ =	shalt  }
0x7c: {  	_ =	shalt  }
0x7d: {  	_ =	shalt  }
0x7e: {  	_ =	shalt  }
0x7f: {  	_ =	shalt  }
0x80: {  	_ =	shalt  }
0x81: {  	_ =	shalt  }
0x82: {  	_ =	shalt  }
0x83: {  	_ =	shalt  }
0x84: {  	_ =	shalt  }
0x85: {  	_ =	shalt  }
0x86: {  	_ =	shalt  }
0x87: {  	_ =	shalt  }
.Lfunc_end0:
.L_simem_size_0:
called_computation_lowered:
.L_overlay_start_0:
0x88: {  	s2 =	sld [smem:$0x3FD9]  }
0x89: {  	s3 =	sld [smem:$0x3FFE];
	_ =	sdelay $0x1  }
0x8a: {  	s1 =	srdreg.scid  }
0x8b: {  	s0 =	sand.u32 $0x1, s1  }
0x8c: {  	s18 =	sshll.u32 s0, $0xA;
	s2 =	sadd.s32 s3, s2  }
0x8d: {  	s2 =	sadd.s32 s2, s18  }
0x8e: {  	[smem:$0x3FC7] =	sst s2  }
0x8f: {  	_ = 	snop  }
0x90: {  	s2 =	sld [smem:$0x3FC9]  }
0x91: {  	s19 =	sld [smem:$0x3FD0];
	(tm) =	ssettm $0x1  }
0x92: {  	s4 =	sld [smem:$0x3FFB];
	_ =	sdelay $0x3  }
0x93: {  	_ =	strace s4  }
0x94: {  	s4 =	sld [smem:$0x3FFC];
	_ =	sdelay $0x3  }
0x95: {  	_ =	strace s4  }
0x96: {  	s4 =	sld [smem:$0x3FFD];
	_ =	sdelay $0x3  }
0x97: {  	_ =	strace s4  }
0x98: {  	_ =	strace $0x8FFFFFFF  }
0x99: {  	s20 =	sld [smem:$0x3FDB];
	_ =	sdelay $0x1  }
0x9a: {  	s5 =	simm.s32 $_scs_section_size  }
0x9b: {  	s6 =	simm.s32 $_size__tile_overlayer_lowered;
	s7 =	simm.s32 $_tile_overlayer_lowered  }
0x9c: {  	s23 =	simm.s32 $0x1BFF;
	s22 =	sshll.u32 s7, $0x1;
	s4 =	sadd.s32 s5, s20  }
0x9d: {  	s8 =	simm.s32 $0x0;
	s21 =	sshll.u32 s6, $0x1;
	s6 =	sadd.s32 s22, s4  }
0x9e: {  	[timem:s8], [sflag:s23] =	dma.local [hbm:s6], s21  }
0x9f: {  	_ =	swait.ge [sflag:s23], s21  }
0xa0: {  	s5 =	ssub.s32 $0x0, s21;
	[sflag:s23] =	ssyncset.done $0x0  }
0xa1: {  	[sflag:s23] =	ssyncadd.s32 s5;
	_ =	sdelay $0x1  }
0xa2: {  	s24 =	simm.s32 $0x1B8B  }
0xa3: {  	_ =	swait.ge [sflag:s24], $0x1  }
0xa4: {  	[sflag:s24] =	ssyncset.done $0x0  }
0xa5: {  	s25 =	simm.s32 $0x1B8E;
	[sflag:s24] =	ssyncadd.s32 $0xFFFFFFFF  }
0xa6: {  	s26 =	simm.s32 $execute0_lowered;
	[smem:$0x3FD2] =	sst s25  }
0xa7: {  	s5 =	sshll.u32 s26, $0x1;
	_ =	strace $0x80000046;
	[dreg:$0x1] =	wrdreg $0xFFFFFFFF  }
0xa8: {  	s28 =	simm.s32 $_size_execute0_lowered;
	s4 =	sadd.s32 s4, s5;
	[dreg:$0x0] =	wrdreg $0x0  }
0xa9: {  	s5 =	sshll.u32 s28, $0x1;
	[dreg:$0x2] =	wrdreg s4  }
0xaa: {  	[dreg:$0x3] =	wrdreg s5  }
0xab: {  	[dreg:$0x4] =	wrdreg $0xC0  }
0xac: {  	_ =	task [dreg:s8], $0x5FFFF  }
0xad: {  	[dreg:$0x1] =	wrdreg $0xFFFFFFFF  }
0xae: {  	[dreg:$0x0] =	wrdreg $0x60  }
0xaf: {  	[dreg:$0x2] =	wrdreg s2  }
0xb0: {  	[dreg:$0x3] =	wrdreg s19  }
0xb1: {  	[dreg:$0x4] =	wrdreg $0x9  }
0xb2: {  	_ =	task.clear_ibuf [dreg:s8], $0x5FFFF;
	_ =	strace $0x90000046  }
0xb3: {  	s29 =	simm.s32 $0x9;
	_ =	strace $0x80000048  }
0xb4: {  	_ =	swait.ge [sflag:s29], $0x1  }
0xb5: {  	[sflag:s29] =	ssyncadd.s32 $0xFFFFFFFF  }
0xb6: {  	_ =	strace $0x90000048  }
0xb7: {  	_ =	sfence  }
0xb8: {  	s30 =	sld [smem:$0x0];
	_ =	sdelay $0x2  }
0xb9: {  	s31 =	sshll.u32 s1, $0xD;
	s1 =	sshrl.u32 s1, $0x2  }
0xba: {  	s3 =	sand.u32 $0x4000, s31;
	s1 =	sadd.s32 s1, s30  }
0xbb: {  	s0 =	sor.u32 s3, s0;
	s1 =	sshll.u32 s1, $0x11  }
0xbc: {  	s0 =	sor.u32 s1, s0  }
0xbd: {  	s0 =	sadd.s32 $0x8F2B, s0  }
0xbe: {  	[sflag:s0] =	ssyncadd.remote.s32 $0x1  }
0xbf: {  	_ =	sfence.sel $0xFFFF  }
0xc0: {  	[dreg:$0x0] =	wrdreg $0xFFFFFFFF;
	(pc) =	sbr.abs _section_cstart, $3  }
0xc1: {  	[dreg:$0x1] =	wrdreg $0xFFFFFFFF  }
0xc2: {  	_ =	task.clear_ibuf [dreg:s8], $0x2FFFF;
	_ =	strace $0x9FFFFFFF  }
0xc3: {  	(tm) =	ssettm $0x7FFFFFFF  }
tec
execute0_lowered:
.L_overlay_start_1:
0x0: {  	(tag) =	ssettag $0x1  }
0x1: {  	s6 =	rddreg [dreg:$0x0]  }
0x2: {  	s10 =	rddreg [dreg:$0x1];
	s1 =	srdreg.scid  }
0x3: {  	s0 =	rddreg [dreg:$0x2];
	s2 =	simm.s32 $0x0;
	s13 =	simm.s32 $0x2  }
0x4: {  	s14 =	simm.s32 $0x0;
	s3 =	sand.u32 $0x1, s1;
	s1 =	stileid.u32  }
0x5: {  	s4 =	ssub.s32 $0x2, s3;
	s7 =	sshll.u32 s1, $0xC;
	s3 =	sshll.u32 s3, $0x6  }
0x6: {  	[smem:$0x7FF] =	sst s2;
	s5 =	sshrl.u32 s4, $0x1;
	s7 =	sor.u32 s3, s7  }
0x7: {  	_ =	strace $0x80000047;
	s11 =	ssub.s32 s4, s5;
	s3 =	sadd.s32 s6, s7  }
0x8: {  	s8 =	sor.u32 $0x10, s7;
	s9 =	sor.u32 $0x20, s7;
	s12 =	sor.u32 $0x30, s7  }
0x9: {  	s7 =	sadd.s32 s10, s7;
	s4 =	sadd.s32 s6, s8;
	s5 =	sadd.s32 s6, s9  }
0xa: {  	s6 =	sadd.s32 s6, s12;
	s8 =	sadd.s32 s10, s8;
	s9 =	sadd.s32 s10, s9  }
0xb: {  	s10 =	sadd.s32 s10, s12;
	s11 =	smax.u32 s11, $0x1;
	s12 =	simm.s32 $0x1  }
.LBB2_1:
0xc: {  	s15 =	simm.s32 $0x80  }
0xd: {  	s18 =	sadd.s32 $0x0, s3;
	s16 =	simm.s32 $0x200;
	s17 =	simm.s32 $0x0  }
.LBB2_2:
0xe: {  	[tilespmem:s17], [sflag:$0x1] =	stream.linear.gather [hbm4b:s18+s2], $0x80, $0x38;
	[tilespmem:$0x4000] =	vst v63  }
0xf: {  	s18 =	smov.u32 s15;
	s17 =	smov.u32 s16;
	p0 =	sne.s32 s15, $0xF80  }
.Ltmp0:
0x10: {  	s15 =	sadd.s32 $0x80, s15;
	(pc) =	sbr.rel @p0 .LBB2_2-.Ltmp0, $2  }
0x11: {  	_ =	sdelay $0x2  }
0x12: {  	s16 =	sadd.s32 $0x200, s16;
	s18 =	sadd.s32 s18, s3  }
0x13: {  	[tilespmem:s17], [sflag:$0x1] =	stream.linear.gather [hbm4b:s18+s2], $0x80, $0x38;
	[tilespmem:$0x4000] =	vst v63  }
0x14: {  	s15 =	simm.s32 $0x80  }
0x15: {  	s16 =	simm.s32 $0x80;
	s18 =	sadd.s32 $0x0, s4;
	s17 =	simm.s32 $0x280  }
.LBB2_4:
0x16: {  	[tilespmem:s15], [sflag:$0x1] =	stream.linear.gather [hbm4b:s18+s2], $0x80, $0x38;
	[tilespmem:$0x4000] =	vst v63  }
0x17: {  	s18 =	smov.u32 s16;
	s15 =	smov.u32 s17;
	p0 =	sne.s32 s16, $0xF80  }
.Ltmp1:
0x18: {  	s16 =	sadd.s32 $0x80, s16;
	(pc) =	sbr.rel @p0 .LBB2_4-.Ltmp1, $2  }
0x19: {  	_ =	sdelay $0x2  }
0x1a: {  	s17 =	sadd.s32 $0x200, s17;
	s18 =	sadd.s32 s18, s4  }
0x1b: {  	[tilespmem:s15], [sflag:$0x1] =	stream.linear.gather [hbm4b:s18+s2], $0x80, $0x38;
	[tilespmem:$0x4000] =	vst v63  }
0x1c: {  	s15 =	simm.s32 $0x100  }
0x1d: {  	s16 =	simm.s32 $0x80;
	s18 =	sadd.s32 $0x0, s5;
	s17 =	simm.s32 $0x300  }
.LBB2_6:
0x1e: {  	[tilespmem:s15], [sflag:$0x1] =	stream.linear.gather [hbm4b:s18+s2], $0x80, $0x38;
	[tilespmem:$0x4000] =	vst v63  }
0x1f: {  	s18 =	smov.u32 s16;
	s15 =	smov.u32 s17;
	p0 =	sne.s32 s16, $0xF80  }
.Ltmp2:
0x20: {  	s16 =	sadd.s32 $0x80, s16;
	(pc) =	sbr.rel @p0 .LBB2_6-.Ltmp2, $2  }
0x21: {  	_ =	sdelay $0x2  }
0x22: {  	s17 =	sadd.s32 $0x200, s17;
	s18 =	sadd.s32 s18, s5  }
0x23: {  	[tilespmem:s15], [sflag:$0x1] =	stream.linear.gather [hbm4b:s18+s2], $0x80, $0x38;
	[tilespmem:$0x4000] =	vst v63  }
0x24: {  	s15 =	simm.s32 $0x180  }
0x25: {  	s16 =	simm.s32 $0x80;
	s18 =	sadd.s32 $0x0, s6;
	s17 =	simm.s32 $0x380  }
.LBB2_8:
0x26: {  	[tilespmem:s15], [sflag:$0x1] =	stream.linear.gather [hbm4b:s18+s2], $0x80, $0x38;
	[tilespmem:$0x4000] =	vst v63  }
0x27: {  	s18 =	smov.u32 s16;
	s15 =	smov.u32 s17;
	p0 =	sne.s32 s16, $0xF80  }
.Ltmp3:
0x28: {  	s16 =	sadd.s32 $0x80, s16;
	(pc) =	sbr.rel @p0 .LBB2_8-.Ltmp3, $2  }
0x29: {  	_ =	sdelay $0x2  }
0x2a: {  	s17 =	sadd.s32 $0x200, s17;
	s18 =	sadd.s32 s18, s6  }
0x2b: {  	[tilespmem:s15], [sflag:$0x1] =	stream.linear.gather [hbm4b:s18+s2], $0x80, $0x38;
	[tilespmem:$0x4000] =	vst v63  }
0x2c: {  	_ =	swait.ge [sflag:s12], $0x1000  }
0x2d: {  	[sflag:s12] =	ssyncset.done $0x0  }
0x2e: {  	s15 =	simm.s32 $0x40;
	[sflag:s12] =	ssyncadd.s32 $0xFFFFF000  }
0x2f: {  	v3 =	vld [tilespmem:s15+$0x30]  }
0x30: {  	v4 =	vld [tilespmem:s15+$0xFFFFFFD0]  }
0x31: {  	v5 =	vld [tilespmem:s15+$0xFFFFFFE0]  }
0x32: {  	v0 =	vld [tilespmem:s15+$0x0]  }
0x33: {  	v1 =	vld [tilespmem:s15+$0x10]  }
0x34: {  	v2 =	vld [tilespmem:s15+$0xFFFFFFF0];
	vm0 =	vlt.f32 v3, $0.0e+00;
	vm1 =	vgt.f32 v3, $0.0e+00  }
0x35: {  	vm0 =	vmor vm1, vm0  }
0x36: {  	vm2 =	vlt.f32 v4, $0.0e+00;
	v7 =	vnsel vm0, $0x0, v3;
	v3 =	vld [tilespmem:s15+$0x20]  }
0x37: {  	v6 =	vld [tilespmem:s15+$0xFFFFFFC0];
	vm3 =	vgt.f32 v4, $0.0e+00;
	vm4 =	vgt.f32 v5, $0.0e+00;
	vm6 =	vgt.f32 v0, $0.0e+00  }
0x38: {  	vm5 =	vgt.f32 v1, $0.0e+00;
	vm1 =	vlt.f32 v5, $0.0e+00;
	vm0 =	vmor vm3, vm2  }
0x39: {  	vm2 =	vlt.f32 v2, $0.0e+00;
	vm3 =	vgt.f32 v2, $0.0e+00;
	vm1 =	vmor vm4, vm1  }
0x3a: {  	s16 =	simm.s32 $0x0;
	s17 =	simm.s32 $0x240;
	vm4 =	vlt.f32 v0, $0.0e+00;
	[tilespmem:s15+$0x30] =	vst v7;
	vm2 =	vmor vm3, vm2;
	vm3 =	vlt.f32 v1, $0.0e+00  }
.LBB2_10:
0x3b: {  	v7 =	vld [tilespmem:s17+$0x30];
	s16 =	sadd.s32 $0x80, s16;
	vm4 =	vmor vm6, vm4;
	vm6 =	vlt.f32 v3, $0.0e+00;
	vm7 =	vgt.f32 v3, $0.0e+00  }
0x3c: {  	vm3 =	vmor vm5, vm3;
	v8 =	vld [tilespmem:s17+$0xFFFFFFD0];
	p0 =	slt.u32 s16, $0xF80;
	vm8 =	vlt.f32 v6, $0.0e+00;
	vm9 =	vgt.f32 v6, $0.0e+00  }
0x3d: {  	v4 =	vnsel vm0, $0x0, v4;
	vm0 =	vmor vm7, vm6;
	v9 =	vld [tilespmem:s17+$0xFFFFFFE0];
	vm5 =	vmor vm9, vm8  }
0x3e: {  	v6 =	vnsel vm5, $0x0, v6;
	[tilespmem:s15+$0xFFFFFFD0] =	vst v4;
	v4 =	vnsel vm1, $0x0, v5;
	v5 =	vnsel vm2, $0x0, v2;
	v2 =	vld [tilespmem:s17+$0xFFFFFFF0]  }
0x3f: {  	v10 =	vnsel vm4, $0x0, v0;
	v11 =	vnsel vm3, $0x0, v1;
	v12 =	vnsel vm0, $0x0, v3;
	[tilespmem:s15+$0xFFFFFFC0] =	vst v6;
	v0 =	vld [tilespmem:s17+$0x0]  }
0x40: {  	v1 =	vld [tilespmem:s17+$0x10];
	vm0 =	vlt.f32 v7, $0.0e+00;
	vm1 =	vgt.f32 v7, $0.0e+00;
	[tilespmem:s15+$0xFFFFFFE0] =	vst v4  }
.Ltmp4:
0x41: {  	vm2 =	vlt.f32 v8, $0.0e+00;
	vm3 =	vgt.f32 v8, $0.0e+00;
	v3 =	vld [tilespmem:s17+$0x20];
	vm0 =	vmor vm1, vm0;
	[tilespmem:s15+$0xFFFFFFF0] =	vst v5;
	v4 =	vmovc v8;
	(pc) =	sbr.rel @p0 .LBB2_10-.Ltmp4, $4  }
0x42: {  	v6 =	vld [tilespmem:s17+$0xFFFFFFC0];
	vm1 =	vlt.f32 v9, $0.0e+00;
	vm4 =	vgt.f32 v9, $0.0e+00;
	v7 =	vnsel vm0, $0x0, v7;
	[tilespmem:s15+$0x0] =	vst v10;
	v5 =	vmovc v9  }
0x43: {  	vm0 =	vmor vm3, vm2;
	vm2 =	vlt.f32 v2, $0.0e+00;
	vm3 =	vgt.f32 v2, $0.0e+00;
	[tilespmem:s17+$0x30] =	vst v7  }
0x44: {  	vm1 =	vmor vm4, vm1;
	vm4 =	vlt.f32 v0, $0.0e+00;
	vm6 =	vgt.f32 v0, $0.0e+00;
	[tilespmem:s15+$0x10] =	vst v11  }
0x45: {  	vm2 =	vmor vm3, vm2;
	vm3 =	vlt.f32 v1, $0.0e+00;
	vm5 =	vgt.f32 v1, $0.0e+00;
	[tilespmem:s15+$0x20] =	vst v12;
	s15 =	smov.u32 s17;
	s17 =	sadd.s32 $0x200, s17  }
0x46: {  	v4 =	vnsel vm0, $0x0, v4  }
0x47: {  	v62 =	vnsel vm1, $0x0, v5;
	vm12 =	vmor vm6, vm4;
	[tilespmem:s15+$0xFFFFFFD0] =	vst v4  }
0x48: {  	vm13 =	vlt.f32 v3, $0.0e+00;
	v2 =	vnsel vm2, $0x0, v2;
	vm14 =	vgt.f32 v3, $0.0e+00;
	[tilespmem:s15+$0xFFFFFFE0] =	vst v62  }
0x49: {  	vm3 =	vmor vm5, vm3;
	vm7 =	vlt.f32 v6, $0.0e+00;
	v0 =	vnsel vm12, $0x0, v0;
	[tilespmem:s15+$0xFFFFFFF0] =	vst v2  }
0x4a: {  	vm8 =	vgt.f32 v6, $0.0e+00;
	vm15 =	vmor vm14, vm13;
	v1 =	vnsel vm3, $0x0, v1;
	[tilespmem:s15+$0x0] =	vst v0  }
0x4b: {  	vm7 =	vmor vm8, vm7;
	v63 =	vnsel vm15, $0x0, v3;
	[tilespmem:s15+$0x10] =	vst v1  }
0x4c: {  	s16 =	simm.s32 $0x0;
	v61 =	vnsel vm7, $0x0, v6;
	[tilespmem:s15+$0x20] =	vst v63  }
0x4d: {  	s18 =	sadd.s32 $0x0, s7;
	s17 =	simm.s32 $0x200;
	[tilespmem:s15+$0xFFFFFFC0] =	vst v61;
	s15 =	simm.s32 $0x80  }
.LBB2_12:
0x4e: {  	[hbm4b:s18+s2] =	stream.linear.scatter [tilespmem:s16], [sflag:$0x2], $0x80, $0x38;
	[tilespmem:$0x4000] =	vst v63  }
0x4f: {  	s18 =	smov.u32 s15;
	s16 =	smov.u32 s17;
	p0 =	sne.s32 s15, $0xF80  }
.Ltmp5:
0x50: {  	s15 =	sadd.s32 $0x80, s15;
	(pc) =	sbr.rel @p0 .LBB2_12-.Ltmp5, $2  }
0x51: {  	_ =	sdelay $0x2  }
0x52: {  	s17 =	sadd.s32 $0x200, s17;
	s18 =	sadd.s32 s18, s7  }
0x53: {  	[hbm4b:s18+s2] =	stream.linear.scatter [tilespmem:s16], [sflag:$0x2], $0x80, $0x38;
	[tilespmem:$0x4000] =	vst v63  }
0x54: {  	_ =	swait.ge [sflag:s12], $0x1000  }
0x55: {  	[sflag:s12] =	ssyncset.done $0x0  }
0x56: {  	s15 =	simm.s32 $0xF0;
	[sflag:s12] =	ssyncadd.s32 $0xFFFFF000  }
0x57: {  	v3 =	vld [tilespmem:s15+$0x0]  }
0x58: {  	v4 =	vld [tilespmem:s15+$0xFFFFFFA0]  }
0x59: {  	v5 =	vld [tilespmem:s15+$0xFFFFFFB0]  }
0x5a: {  	v0 =	vld [tilespmem:s15+$0xFFFFFFD0]  }
0x5b: {  	v1 =	vld [tilespmem:s15+$0xFFFFFFE0]  }
0x5c: {  	v2 =	vld [tilespmem:s15+$0xFFFFFFC0];
	vm0 =	vlt.f32 v3, $0.0e+00;
	vm1 =	vgt.f32 v3, $0.0e+00  }
0x5d: {  	vm0 =	vmor vm1, vm0  }
0x5e: {  	vm2 =	vlt.f32 v4, $0.0e+00;
	v7 =	vnsel vm0, $0x0, v3;
	v3 =	vld [tilespmem:s15+$0xFFFFFFF0]  }
0x5f: {  	v6 =	vld [tilespmem:s15+$0xFFFFFF90];
	vm3 =	vgt.f32 v4, $0.0e+00;
	vm4 =	vgt.f32 v5, $0.0e+00;
	vm6 =	vgt.f32 v0, $0.0e+00  }
0x60: {  	vm5 =	vgt.f32 v1, $0.0e+00;
	vm1 =	vlt.f32 v5, $0.0e+00;
	vm0 =	vmor vm3, vm2  }
0x61: {  	vm2 =	vlt.f32 v2, $0.0e+00;
	vm3 =	vgt.f32 v2, $0.0e+00;
	vm1 =	vmor vm4, vm1  }
0x62: {  	s16 =	simm.s32 $0x0;
	s17 =	simm.s32 $0x2F0;
	vm4 =	vlt.f32 v0, $0.0e+00;
	[tilespmem:s15+$0x0] =	vst v7;
	vm2 =	vmor vm3, vm2;
	vm3 =	vlt.f32 v1, $0.0e+00  }
.LBB2_14:
0x63: {  	v7 =	vld [tilespmem:s17+$0x0];
	s16 =	sadd.s32 $0x80, s16;
	vm4 =	vmor vm6, vm4;
	vm6 =	vlt.f32 v3, $0.0e+00;
	vm7 =	vgt.f32 v3, $0.0e+00  }
0x64: {  	vm3 =	vmor vm5, vm3;
	v8 =	vld [tilespmem:s17+$0xFFFFFFA0];
	p0 =	slt.u32 s16, $0xF80;
	vm8 =	vlt.f32 v6, $0.0e+00;
	vm9 =	vgt.f32 v6, $0.0e+00  }
0x65: {  	v4 =	vnsel vm0, $0x0, v4;
	vm0 =	vmor vm7, vm6;
	v9 =	vld [tilespmem:s17+$0xFFFFFFB0];
	vm5 =	vmor vm9, vm8  }
0x66: {  	v6 =	vnsel vm5, $0x0, v6;
	[tilespmem:s15+$0xFFFFFFA0] =	vst v4;
	v4 =	vnsel vm1, $0x0, v5;
	v5 =	vnsel vm2, $0x0, v2;
	v2 =	vld [tilespmem:s17+$0xFFFFFFC0]  }
0x67: {  	v10 =	vnsel vm4, $0x0, v0;
	v11 =	vnsel vm3, $0x0, v1;
	v12 =	vnsel vm0, $0x0, v3;
	[tilespmem:s15+$0xFFFFFF90] =	vst v6;
	v0 =	vld [tilespmem:s17+$0xFFFFFFD0]  }
0x68: {  	v1 =	vld [tilespmem:s17+$0xFFFFFFE0];
	vm0 =	vlt.f32 v7, $0.0e+00;
	vm1 =	vgt.f32 v7, $0.0e+00;
	[tilespmem:s15+$0xFFFFFFB0] =	vst v4  }
.Ltmp6:
0x69: {  	vm2 =	vlt.f32 v8, $0.0e+00;
	vm3 =	vgt.f32 v8, $0.0e+00;
	v3 =	vld [tilespmem:s17+$0xFFFFFFF0];
	vm0 =	vmor vm1, vm0;
	[tilespmem:s15+$0xFFFFFFC0] =	vst v5;
	v4 =	vmovc v8;
	(pc) =	sbr.rel @p0 .LBB2_14-.Ltmp6, $4  }
0x6a: {  	v6 =	vld [tilespmem:s17+$0xFFFFFF90];
	vm1 =	vlt.f32 v9, $0.0e+00;
	vm4 =	vgt.f32 v9, $0.0e+00;
	v7 =	vnsel vm0, $0x0, v7;
	[tilespmem:s15+$0xFFFFFFD0] =	vst v10;
	v5 =	vmovc v9  }
0x6b: {  	vm0 =	vmor vm3, vm2;
	vm2 =	vlt.f32 v2, $0.0e+00;
	vm3 =	vgt.f32 v2, $0.0e+00;
	[tilespmem:s17+$0x0] =	vst v7  }
0x6c: {  	vm1 =	vmor vm4, vm1;
	vm4 =	vlt.f32 v0, $0.0e+00;
	vm6 =	vgt.f32 v0, $0.0e+00;
	[tilespmem:s15+$0xFFFFFFE0] =	vst v11  }
0x6d: {  	vm2 =	vmor vm3, vm2;
	vm3 =	vlt.f32 v1, $0.0e+00;
	vm5 =	vgt.f32 v1, $0.0e+00;
	[tilespmem:s15+$0xFFFFFFF0] =	vst v12;
	s15 =	smov.u32 s17;
	s17 =	sadd.s32 $0x200, s17  }
0x6e: {  	v4 =	vnsel vm0, $0x0, v4  }
0x6f: {  	v62 =	vnsel vm1, $0x0, v5;
	vm12 =	vmor vm6, vm4;
	[tilespmem:s15+$0xFFFFFFA0] =	vst v4  }
0x70: {  	vm13 =	vlt.f32 v3, $0.0e+00;
	v2 =	vnsel vm2, $0x0, v2;
	vm14 =	vgt.f32 v3, $0.0e+00;
	[tilespmem:s15+$0xFFFFFFB0] =	vst v62  }
0x71: {  	vm3 =	vmor vm5, vm3;
	vm7 =	vlt.f32 v6, $0.0e+00;
	v0 =	vnsel vm12, $0x0, v0;
	[tilespmem:s15+$0xFFFFFFC0] =	vst v2  }
0x72: {  	vm8 =	vgt.f32 v6, $0.0e+00;
	vm15 =	vmor vm14, vm13;
	v1 =	vnsel vm3, $0x0, v1;
	[tilespmem:s15+$0xFFFFFFD0] =	vst v0  }
0x73: {  	vm7 =	vmor vm8, vm7;
	v63 =	vnsel vm15, $0x0, v3;
	[tilespmem:s15+$0xFFFFFFE0] =	vst v1  }
0x74: {  	s16 =	simm.s32 $0x80;
	v61 =	vnsel vm7, $0x0, v6;
	[tilespmem:s15+$0xFFFFFFF0] =	vst v63  }
0x75: {  	s18 =	sadd.s32 $0x0, s8;
	s17 =	simm.s32 $0x280;
	[tilespmem:s15+$0xFFFFFF90] =	vst v61;
	s15 =	simm.s32 $0x80  }
.LBB2_16:
0x76: {  	[hbm4b:s18+s2] =	stream.linear.scatter [tilespmem:s16], [sflag:$0x2], $0x80, $0x38;
	[tilespmem:$0x4000] =	vst v63  }
0x77: {  	s18 =	smov.u32 s15;
	s16 =	smov.u32 s17;
	p0 =	sne.s32 s15, $0xF80  }
.Ltmp7:
0x78: {  	s15 =	sadd.s32 $0x80, s15;
	(pc) =	sbr.rel @p0 .LBB2_16-.Ltmp7, $2  }
0x79: {  	_ =	sdelay $0x2  }
0x7a: {  	s17 =	sadd.s32 $0x200, s17;
	s18 =	sadd.s32 s18, s8  }
0x7b: {  	[hbm4b:s18+s2] =	stream.linear.scatter [tilespmem:s16], [sflag:$0x2], $0x80, $0x38;
	[tilespmem:$0x4000] =	vst v63  }
0x7c: {  	_ =	swait.ge [sflag:s12], $0x1000  }
0x7d: {  	[sflag:s12] =	ssyncset.done $0x0  }
0x7e: {  	s15 =	simm.s32 $0x170;
	[sflag:s12] =	ssyncadd.s32 $0xFFFFF000  }
0x7f: {  	v3 =	vld [tilespmem:s15+$0x0]  }
0x80: {  	v4 =	vld [tilespmem:s15+$0xFFFFFFA0]  }
0x81: {  	v5 =	vld [tilespmem:s15+$0xFFFFFFB0]  }
0x82: {  	v0 =	vld [tilespmem:s15+$0xFFFFFFD0]  }
0x83: {  	v1 =	vld [tilespmem:s15+$0xFFFFFFE0]  }
0x84: {  	v2 =	vld [tilespmem:s15+$0xFFFFFFC0];
	vm0 =	vlt.f32 v3, $0.0e+00;
	vm1 =	vgt.f32 v3, $0.0e+00  }
0x85: {  	vm0 =	vmor vm1, vm0  }
0x86: {  	vm2 =	vlt.f32 v4, $0.0e+00;
	v7 =	vnsel vm0, $0x0, v3;
	v3 =	vld [tilespmem:s15+$0xFFFFFFF0]  }
0x87: {  	v6 =	vld [tilespmem:s15+$0xFFFFFF90];
	vm3 =	vgt.f32 v4, $0.0e+00;
	vm4 =	vgt.f32 v5, $0.0e+00;
	vm6 =	vgt.f32 v0, $0.0e+00  }
0x88: {  	vm5 =	vgt.f32 v1, $0.0e+00;
	vm1 =	vlt.f32 v5, $0.0e+00;
	vm0 =	vmor vm3, vm2  }
0x89: {  	vm2 =	vlt.f32 v2, $0.0e+00;
	vm3 =	vgt.f32 v2, $0.0e+00;
	vm1 =	vmor vm4, vm1  }
0x8a: {  	s16 =	simm.s32 $0x0;
	s17 =	simm.s32 $0x370;
	vm4 =	vlt.f32 v0, $0.0e+00;
	[tilespmem:s15+$0x0] =	vst v7;
	vm2 =	vmor vm3, vm2;
	vm3 =	vlt.f32 v1, $0.0e+00  }
.LBB2_18:
0x8b: {  	v7 =	vld [tilespmem:s17+$0x0];
	s16 =	sadd.s32 $0x80, s16;
	vm4 =	vmor vm6, vm4;
	vm6 =	vlt.f32 v3, $0.0e+00;
	vm7 =	vgt.f32 v3, $0.0e+00  }
0x8c: {  	vm3 =	vmor vm5, vm3;
	v8 =	vld [tilespmem:s17+$0xFFFFFFA0];
	p0 =	slt.u32 s16, $0xF80;
	vm8 =	vlt.f32 v6, $0.0e+00;
	vm9 =	vgt.f32 v6, $0.0e+00  }
0x8d: {  	v4 =	vnsel vm0, $0x0, v4;
	vm0 =	vmor vm7, vm6;
	v9 =	vld [tilespmem:s17+$0xFFFFFFB0];
	vm5 =	vmor vm9, vm8  }
0x8e: {  	v6 =	vnsel vm5, $0x0, v6;
	[tilespmem:s15+$0xFFFFFFA0] =	vst v4;
	v4 =	vnsel vm1, $0x0, v5;
	v5 =	vnsel vm2, $0x0, v2;
	v2 =	vld [tilespmem:s17+$0xFFFFFFC0]  }
0x8f: {  	v10 =	vnsel vm4, $0x0, v0;
	v11 =	vnsel vm3, $0x0, v1;
	v12 =	vnsel vm0, $0x0, v3;
	[tilespmem:s15+$0xFFFFFF90] =	vst v6;
	v0 =	vld [tilespmem:s17+$0xFFFFFFD0]  }
0x90: {  	v1 =	vld [tilespmem:s17+$0xFFFFFFE0];
	vm0 =	vlt.f32 v7, $0.0e+00;
	vm1 =	vgt.f32 v7, $0.0e+00;
	[tilespmem:s15+$0xFFFFFFB0] =	vst v4  }
.Ltmp8:
0x91: {  	vm2 =	vlt.f32 v8, $0.0e+00;
	vm3 =	vgt.f32 v8, $0.0e+00;
	v3 =	vld [tilespmem:s17+$0xFFFFFFF0];
	vm0 =	vmor vm1, vm0;
	[tilespmem:s15+$0xFFFFFFC0] =	vst v5;
	v4 =	vmovc v8;
	(pc) =	sbr.rel @p0 .LBB2_18-.Ltmp8, $4  }
0x92: {  	v6 =	vld [tilespmem:s17+$0xFFFFFF90];
	vm1 =	vlt.f32 v9, $0.0e+00;
	vm4 =	vgt.f32 v9, $0.0e+00;
	v7 =	vnsel vm0, $0x0, v7;
	[tilespmem:s15+$0xFFFFFFD0] =	vst v10;
	v5 =	vmovc v9  }
0x93: {  	vm0 =	vmor vm3, vm2;
	vm2 =	vlt.f32 v2, $0.0e+00;
	vm3 =	vgt.f32 v2, $0.0e+00;
	[tilespmem:s17+$0x0] =	vst v7  }
0x94: {  	vm1 =	vmor vm4, vm1;
	vm4 =	vlt.f32 v0, $0.0e+00;
	vm6 =	vgt.f32 v0, $0.0e+00;
	[tilespmem:s15+$0xFFFFFFE0] =	vst v11  }
0x95: {  	vm2 =	vmor vm3, vm2;
	vm3 =	vlt.f32 v1, $0.0e+00;
	vm5 =	vgt.f32 v1, $0.0e+00;
	[tilespmem:s15+$0xFFFFFFF0] =	vst v12;
	s15 =	smov.u32 s17;
	s17 =	sadd.s32 $0x200, s17  }
0x96: {  	v4 =	vnsel vm0, $0x0, v4  }
0x97: {  	v62 =	vnsel vm1, $0x0, v5;
	vm12 =	vmor vm6, vm4;
	[tilespmem:s15+$0xFFFFFFA0] =	vst v4  }
0x98: {  	vm13 =	vlt.f32 v3, $0.0e+00;
	v2 =	vnsel vm2, $0x0, v2;
	vm14 =	vgt.f32 v3, $0.0e+00;
	[tilespmem:s15+$0xFFFFFFB0] =	vst v62  }
0x99: {  	vm3 =	vmor vm5, vm3;
	vm7 =	vlt.f32 v6, $0.0e+00;
	v0 =	vnsel vm12, $0x0, v0;
	[tilespmem:s15+$0xFFFFFFC0] =	vst v2  }
0x9a: {  	vm8 =	vgt.f32 v6, $0.0e+00;
	vm15 =	vmor vm14, vm13;
	v1 =	vnsel vm3, $0x0, v1;
	[tilespmem:s15+$0xFFFFFFD0] =	vst v0  }
0x9b: {  	vm7 =	vmor vm8, vm7;
	v63 =	vnsel vm15, $0x0, v3;
	[tilespmem:s15+$0xFFFFFFE0] =	vst v1  }
0x9c: {  	s16 =	simm.s32 $0x100;
	v61 =	vnsel vm7, $0x0, v6;
	[tilespmem:s15+$0xFFFFFFF0] =	vst v63  }
0x9d: {  	s18 =	sadd.s32 $0x0, s9;
	s17 =	simm.s32 $0x300;
	[tilespmem:s15+$0xFFFFFF90] =	vst v61;
	s15 =	simm.s32 $0x80  }
.LBB2_20:
0x9e: {  	[hbm4b:s18+s2] =	stream.linear.scatter [tilespmem:s16], [sflag:$0x2], $0x80, $0x38;
	[tilespmem:$0x4000] =	vst v63  }
0x9f: {  	s18 =	smov.u32 s15;
	s16 =	smov.u32 s17;
	p0 =	sne.s32 s15, $0xF80  }
.Ltmp9:
0xa0: {  	s15 =	sadd.s32 $0x80, s15;
	(pc) =	sbr.rel @p0 .LBB2_20-.Ltmp9, $2  }
0xa1: {  	_ =	sdelay $0x2  }
0xa2: {  	s17 =	sadd.s32 $0x200, s17;
	s18 =	sadd.s32 s18, s9  }
0xa3: {  	[hbm4b:s18+s2] =	stream.linear.scatter [tilespmem:s16], [sflag:$0x2], $0x80, $0x38;
	[tilespmem:$0x4000] =	vst v63  }
0xa4: {  	_ =	swait.ge [sflag:s12], $0x1000  }
0xa5: {  	[sflag:s12] =	ssyncset.done $0x0  }
0xa6: {  	s15 =	simm.s32 $0x1F0;
	[sflag:s12] =	ssyncadd.s32 $0xFFFFF000  }
0xa7: {  	v3 =	vld [tilespmem:s15+$0x0]  }
0xa8: {  	v4 =	vld [tilespmem:s15+$0xFFFFFFA0]  }
0xa9: {  	v5 =	vld [tilespmem:s15+$0xFFFFFFB0]  }
0xaa: {  	v0 =	vld [tilespmem:s15+$0xFFFFFFD0]  }
0xab: {  	v1 =	vld [tilespmem:s15+$0xFFFFFFE0]  }
0xac: {  	v2 =	vld [tilespmem:s15+$0xFFFFFFC0];
	vm0 =	vlt.f32 v3, $0.0e+00;
	vm1 =	vgt.f32 v3, $0.0e+00  }
0xad: {  	vm0 =	vmor vm1, vm0  }
0xae: {  	vm2 =	vlt.f32 v4, $0.0e+00;
	v7 =	vnsel vm0, $0x0, v3;
	v3 =	vld [tilespmem:s15+$0xFFFFFFF0]  }
0xaf: {  	v6 =	vld [tilespmem:s15+$0xFFFFFF90];
	vm3 =	vgt.f32 v4, $0.0e+00;
	vm4 =	vgt.f32 v5, $0.0e+00;
	vm6 =	vgt.f32 v0, $0.0e+00  }
0xb0: {  	vm5 =	vgt.f32 v1, $0.0e+00;
	vm1 =	vlt.f32 v5, $0.0e+00;
	vm0 =	vmor vm3, vm2  }
0xb1: {  	vm2 =	vlt.f32 v2, $0.0e+00;
	vm3 =	vgt.f32 v2, $0.0e+00;
	vm1 =	vmor vm4, vm1  }
0xb2: {  	s16 =	simm.s32 $0x0;
	s17 =	simm.s32 $0x3F0;
	vm4 =	vlt.f32 v0, $0.0e+00;
	[tilespmem:s15+$0x0] =	vst v7;
	vm2 =	vmor vm3, vm2;
	vm3 =	vlt.f32 v1, $0.0e+00  }
.LBB2_22:
0xb3: {  	v7 =	vld [tilespmem:s17+$0x0];
	s16 =	sadd.s32 $0x80, s16;
	vm4 =	vmor vm6, vm4;
	vm6 =	vlt.f32 v3, $0.0e+00;
	vm7 =	vgt.f32 v3, $0.0e+00  }
0xb4: {  	vm3 =	vmor vm5, vm3;
	v8 =	vld [tilespmem:s17+$0xFFFFFFA0];
	p0 =	slt.u32 s16, $0xF80;
	vm8 =	vlt.f32 v6, $0.0e+00;
	vm9 =	vgt.f32 v6, $0.0e+00  }
0xb5: {  	v4 =	vnsel vm0, $0x0, v4;
	vm0 =	vmor vm7, vm6;
	v9 =	vld [tilespmem:s17+$0xFFFFFFB0];
	vm5 =	vmor vm9, vm8  }
0xb6: {  	v6 =	vnsel vm5, $0x0, v6;
	[tilespmem:s15+$0xFFFFFFA0] =	vst v4;
	v4 =	vnsel vm1, $0x0, v5;
	v5 =	vnsel vm2, $0x0, v2;
	v2 =	vld [tilespmem:s17+$0xFFFFFFC0]  }
0xb7: {  	v10 =	vnsel vm4, $0x0, v0;
	v11 =	vnsel vm3, $0x0, v1;
	v12 =	vnsel vm0, $0x0, v3;
	[tilespmem:s15+$0xFFFFFF90] =	vst v6;
	v0 =	vld [tilespmem:s17+$0xFFFFFFD0]  }
0xb8: {  	v1 =	vld [tilespmem:s17+$0xFFFFFFE0];
	vm0 =	vlt.f32 v7, $0.0e+00;
	vm1 =	vgt.f32 v7, $0.0e+00;
	[tilespmem:s15+$0xFFFFFFB0] =	vst v4  }
.Ltmp10:
0xb9: {  	vm2 =	vlt.f32 v8, $0.0e+00;
	vm3 =	vgt.f32 v8, $0.0e+00;
	v3 =	vld [tilespmem:s17+$0xFFFFFFF0];
	vm0 =	vmor vm1, vm0;
	[tilespmem:s15+$0xFFFFFFC0] =	vst v5;
	v4 =	vmovc v8;
	(pc) =	sbr.rel @p0 .LBB2_22-.Ltmp10, $4  }
0xba: {  	v6 =	vld [tilespmem:s17+$0xFFFFFF90];
	vm1 =	vlt.f32 v9, $0.0e+00;
	vm4 =	vgt.f32 v9, $0.0e+00;
	v7 =	vnsel vm0, $0x0, v7;
	[tilespmem:s15+$0xFFFFFFD0] =	vst v10;
	v5 =	vmovc v9  }
0xbb: {  	vm0 =	vmor vm3, vm2;
	vm2 =	vlt.f32 v2, $0.0e+00;
	vm3 =	vgt.f32 v2, $0.0e+00;
	[tilespmem:s17+$0x0] =	vst v7  }
0xbc: {  	vm1 =	vmor vm4, vm1;
	vm4 =	vlt.f32 v0, $0.0e+00;
	vm6 =	vgt.f32 v0, $0.0e+00;
	[tilespmem:s15+$0xFFFFFFE0] =	vst v11  }
0xbd: {  	vm2 =	vmor vm3, vm2;
	vm3 =	vlt.f32 v1, $0.0e+00;
	vm5 =	vgt.f32 v1, $0.0e+00;
	[tilespmem:s15+$0xFFFFFFF0] =	vst v12;
	s15 =	smov.u32 s17;
	s17 =	sadd.s32 $0x200, s17  }
0xbe: {  	v4 =	vnsel vm0, $0x0, v4  }
0xbf: {  	v62 =	vnsel vm1, $0x0, v5;
	vm12 =	vmor vm6, vm4;
	[tilespmem:s15+$0xFFFFFFA0] =	vst v4  }
0xc0: {  	vm13 =	vlt.f32 v3, $0.0e+00;
	v2 =	vnsel vm2, $0x0, v2;
	vm14 =	vgt.f32 v3, $0.0e+00;
	[tilespmem:s15+$0xFFFFFFB0] =	vst v62  }
0xc1: {  	vm3 =	vmor vm5, vm3;
	vm7 =	vlt.f32 v6, $0.0e+00;
	v0 =	vnsel vm12, $0x0, v0;
	[tilespmem:s15+$0xFFFFFFC0] =	vst v2  }
0xc2: {  	vm8 =	vgt.f32 v6, $0.0e+00;
	vm15 =	vmor vm14, vm13;
	v1 =	vnsel vm3, $0x0, v1;
	[tilespmem:s15+$0xFFFFFFD0] =	vst v0  }
0xc3: {  	vm7 =	vmor vm8, vm7;
	v63 =	vnsel vm15, $0x0, v3;
	[tilespmem:s15+$0xFFFFFFE0] =	vst v1  }
0xc4: {  	s16 =	simm.s32 $0x180;
	v61 =	vnsel vm7, $0x0, v6;
	[tilespmem:s15+$0xFFFFFFF0] =	vst v63  }
0xc5: {  	s18 =	sadd.s32 $0x0, s10;
	s17 =	simm.s32 $0x380;
	[tilespmem:s15+$0xFFFFFF90] =	vst v61;
	s15 =	simm.s32 $0x80  }
.LBB2_24:
0xc6: {  	[hbm4b:s18+s2] =	stream.linear.scatter [tilespmem:s16], [sflag:$0x2], $0x80, $0x38;
	[tilespmem:$0x4000] =	vst v63  }
0xc7: {  	s18 =	smov.u32 s15;
	s16 =	smov.u32 s17;
	p0 =	sne.s32 s15, $0xF80  }
.Ltmp11:
0xc8: {  	s15 =	sadd.s32 $0x80, s15;
	(pc) =	sbr.rel @p0 .LBB2_24-.Ltmp11, $2  }
0xc9: {  	_ =	sdelay $0x2  }
0xca: {  	s17 =	sadd.s32 $0x200, s17;
	s18 =	sadd.s32 s18, s10  }
0xcb: {  	[hbm4b:s18+s2] =	stream.linear.scatter [tilespmem:s16], [sflag:$0x2], $0x80, $0x38;
	[tilespmem:$0x4000] =	vst v63  }
0xcc: {  	_ =	swait.ge [sflag:s13], $0x1000  }
0xcd: {  	[sflag:s13] =	ssyncset.done $0x0  }
0xce: {  	[sflag:s13] =	ssyncadd.s32 $0xFFFFF000  }
0xcf: {  	_ =	swait.ge [sflag:s13], $0x1000  }
0xd0: {  	[sflag:s13] =	ssyncset.done $0x0  }
0xd1: {  	s14 =	sadd.s32 $0x1, s14;
	[sflag:s13] =	ssyncadd.s32 $0xFFFFF000  }
0xd2: {  	p0 =	sne.s32 s14, s11;
	_ =	swait.ge [sflag:s13], $0x1000  }
.Ltmp12:
0xd3: {  	[sflag:s13] =	ssyncset.done $0x0;
	(pc) =	sbr.rel @p0 .LBB2_1-.Ltmp12, $4  }
0xd4: {  	[sflag:s13] =	ssyncadd.s32 $0xFFFFF000  }
0xd5: {  	_ =	swait.ge [sflag:s13], $0x1000  }
0xd6: {  	[sflag:s13] =	ssyncset.done $0x0  }
0xd7: {  	[sflag:s13] =	ssyncadd.s32 $0xFFFFF000  }
0xd8: {  	_ =	sfence.sel $0x180000  }
0xd9: {  	[bflag:$0x0] =	sbarrier.arrive $0xFFFF  }
0xda: {  	p0 =	sne.s32 s1, $0x0;
	_ =	strace $0x90000047  }
0xdb: {  	s0 =	sadd.s32 @!p0 $0x100000, s0;
	[bflag:$0x2] =	sbarrier.arrive $0xFFFF  }
0xdc: {  	[sflag:s0] =	ssyncadd.tile.s32 @!p0 $0x1;
	_ =	shalt  }
.Lfunc_end2:
_tile_overlayer_lowered:
.L_overlay_start_2:
0xdd: {  	(tag) =	ssettag $0x2  }
0xde: {  	s0 =	rddreg [dreg:$0x0];
	s2 =	stileid.u32  }
0xdf: {  	s1 =	rddreg [dreg:$0x1];
	p0 =	sne.s32 s2, $0x0  }
0xe0: {  	s3 =	rddreg [dreg:$0x2];
	[bflag:$0x3] =	sbarrier.arrive $0xFFFF;
	s2 =	simm.s32 @!p0 $0x1C03  }
0xe1: {  	[timem:s3], [sflag:s2] =	dma.local @!p0 [hbm:s0], s1  }
0xe2: {  	s0 =	simm.s32 @!p0 $0x3  }
0xe3: {  	_ =	swait.ge @!p0 [sflag:s0], s1  }
0xe4: {  	s1 =	ssub.s32 @!p0 $0x0, s1;
	[sflag:s0] =	ssyncset.done @!p0 $0x0  }
0xe5: {  	[sflag:s0] =	ssyncadd.s32 @!p0 s1  }
0xe6: {  	[bflag:$0x3] =	sbarrier.arrive $0xFFFF  }
0xe7: {  	_ =	shalt  }

</sc_bundles>
